<compile_context>
chip_gen: v7x
topology: tpu7x:2x2x1
jax: 0.10.2.dev20260603
libtpu: 0.0.44.dev20260713+nightly
codegen_flags: <defaults>
</compile_context>

<pallas_src>
import functools

import jax
import jax.numpy as jnp
from jax import lax
from jax.experimental import pallas as pl
from jax.experimental.pallas import tpu as pltpu
from jax.experimental.pallas import tpu_sc as plsc

NC = 2
NS = 16
NW = NC * NS
EB = 128


RB = 2
NP = 2 * RB


def _sc_degree(dstp, zed, ones, n_pad, e_work):
    epw = e_work // NW
    nb = epw // EB
    rpt = n_pad // NS
    mesh = plsc.VectorSubcoreMesh(core_axis_name="c", subcore_axis_name="s", num_cores=NC, num_subcores=NS)

    @functools.partial(
        pl.kernel,
        out_type=jax.ShapeDtypeStruct((NC, n_pad, 16), jnp.float32),
        mesh=mesh,
        scratch_types=[
            pltpu.VMEM((EB,), jnp.int32),
            pltpu.VMEM((EB, 16), jnp.float32),
            pltpu.VMEM_SHARED((n_pad, 16), jnp.float32),
        ],
    )
    def k(dst_hbm, zed_hbm, ones_hbm, out_hbm, idx_v, ones_v, deg_sh):
        c = lax.axis_index("c")
        s = lax.axis_index("s")
        wid = s * NC + c
        pltpu.sync_copy(ones_hbm, ones_v)
        pltpu.sync_copy(zed_hbm.at[pl.ds(s * rpt, rpt)],
                        deg_sh.at[pl.ds(s * rpt, rpt)])
        plsc.subcore_barrier()

        def step(b, carry):
            base = wid * epw + b * EB
            pltpu.sync_copy(dst_hbm.at[pl.ds(base, EB)], idx_v)
            pltpu.sync_copy(ones_v, deg_sh.at[idx_v], add=True)
            return carry

        lax.fori_loop(0, nb, step, 0)
        plsc.subcore_barrier()
        pltpu.sync_copy(deg_sh.at[pl.ds(s * rpt, rpt)],
                        out_hbm.at[c, pl.ds(s * rpt, rpt)])

    return k(dstp, zed, ones)


def _sc_spmm(g, srcp, dstp, zacc, n_pad, e_work):
    d = g.shape[1]
    epw = e_work // NW
    nb = epw // EB
    rpt = n_pad // NS
    mesh = plsc.VectorSubcoreMesh(core_axis_name="c", subcore_axis_name="s", num_cores=NC, num_subcores=NS)

    @functools.partial(
        pl.kernel,
        out_type=jax.ShapeDtypeStruct((NC, n_pad, d), jnp.float32),
        mesh=mesh,
        scratch_types=[
            pltpu.VMEM((EB,), jnp.int32),
            pltpu.VMEM((EB,), jnp.int32),
            pltpu.VMEM((EB, d), jnp.float32),
            pltpu.SemaphoreType.DMA,
            pltpu.VMEM_SHARED((n_pad, d), jnp.float32),
        ],
    )
    def k(g_hbm, src_hbm, dst_hbm, zacc_hbm, out_hbm,
          idx_s, idx_d, rows_v, sem_g, acc_sh):
        c = lax.axis_index("c")
        s = lax.axis_index("s")
        wid = s * NC + c
        base = wid * epw

        pltpu.sync_copy(zacc_hbm.at[pl.ds(s * rpt, rpt)],
                        acc_sh.at[pl.ds(s * rpt, rpt)])
        plsc.subcore_barrier()

        def step(b, carry):
            off = base + b * EB
            pltpu.sync_copy(src_hbm.at[pl.ds(off, EB)], idx_s)
            pltpu.sync_copy(dst_hbm.at[pl.ds(off, EB)], idx_d)
            pltpu.async_copy(g_hbm.at[idx_s], rows_v, sem_g).wait()
            pltpu.sync_copy(rows_v, acc_sh.at[idx_d], add=True)
            return carry

        lax.fori_loop(0, nb, step, 0)
        plsc.subcore_barrier()
        pltpu.sync_copy(acc_sh.at[pl.ds(s * rpt, rpt)],
                        out_hbm.at[c, pl.ds(s * rpt, rpt)])

    return k(g, srcp, dstp, zacc)


def _dis_block(dg_ref):
    return lax.rsqrt(dg_ref[0, :, 0:1] + dg_ref[1, :, 0:1] + 1.0)


def _tc_scale_matmul(x, w, deg16, bm):
    n, d = x.shape

    def body(x_ref, w_ref, dg_ref, out_ref):
        dis = _dis_block(dg_ref)
        out_ref[...] = dis * jnp.dot(x_ref[...], w_ref[...],
                                     preferred_element_type=jnp.float32)

    return pl.pallas_call(
        body,
        grid=(n // bm,),
        in_specs=[
            pl.BlockSpec((bm, d), lambda i: (i, 0)),
            pl.BlockSpec((d, d), lambda i: (0, 0)),
            pl.BlockSpec((2, bm, 16), lambda i: (0, i, 0)),
        ],
        out_specs=pl.BlockSpec((bm, d), lambda i: (i, 0)),
        out_shape=jax.ShapeDtypeStruct((n, d), jnp.float32),
    )(x, w, deg16)


def _tc_mid(acc, g1, deg16, b1, w2, bm):
    n, d = g1.shape

    def body(acc_ref, g1_ref, dg_ref, b1_ref, w2_ref, out_ref):
        dis = _dis_block(dg_ref)
        o1 = dis * (acc_ref[0] + acc_ref[1] + g1_ref[...]) + b1_ref[...]
        o1 = jnp.maximum(o1, 0.0)
        out_ref[...] = dis * jnp.dot(o1, w2_ref[...],
                                     preferred_element_type=jnp.float32)

    return pl.pallas_call(
        body,
        grid=(n // bm,),
        in_specs=[
            pl.BlockSpec((2, bm, d), lambda i: (0, i, 0)),
            pl.BlockSpec((bm, d), lambda i: (i, 0)),
            pl.BlockSpec((2, bm, 16), lambda i: (0, i, 0)),
            pl.BlockSpec((1, d), lambda i: (0, 0)),
            pl.BlockSpec((d, d), lambda i: (0, 0)),
        ],
        out_specs=pl.BlockSpec((bm, d), lambda i: (i, 0)),
        out_shape=jax.ShapeDtypeStruct((n, d), jnp.float32),
    )(acc, g1, deg16, b1, w2)


def _tc_final(acc, g2, deg16, b2, bm):
    n, d = g2.shape

    def body(acc_ref, g2_ref, dg_ref, b2_ref, out_ref):
        dis = _dis_block(dg_ref)
        out_ref[...] = dis * (acc_ref[0] + acc_ref[1] + g2_ref[...]) + b2_ref[...]

    return pl.pallas_call(
        body,
        grid=(n // bm,),
        in_specs=[
            pl.BlockSpec((2, bm, d), lambda i: (0, i, 0)),
            pl.BlockSpec((bm, d), lambda i: (i, 0)),
            pl.BlockSpec((2, bm, 16), lambda i: (0, i, 0)),
            pl.BlockSpec((1, d), lambda i: (0, 0)),
        ],
        out_specs=pl.BlockSpec((bm, d), lambda i: (i, 0)),
        out_shape=jax.ShapeDtypeStruct((n, d), jnp.float32),
    )(acc, g2, deg16, b2)


def kernel(x, edge_index, W1, b1, W2, b2):
    n, d = x.shape
    e = edge_index.shape[1]
    src = edge_index[0].astype(jnp.int32)
    dst = edge_index[1].astype(jnp.int32)

    chunk = NW * EB * NP
    e_work = -(-e // chunk) * chunk
    pad = e_work - e
    n_pad = -(-(n + 1) // (NS * 8)) * (NS * 8)
    trash = n + (jnp.arange(pad, dtype=jnp.int32) % (n_pad - n))
    srcp = jnp.concatenate([src, jnp.zeros((pad,), jnp.int32),
                            jnp.zeros((RB * EB,), jnp.int32)])
    dstp = jnp.concatenate([dst, trash,
                            jnp.zeros((RB * EB,), jnp.int32)])

    zed = jnp.zeros((n_pad, 16), jnp.float32)
    ones = jnp.ones((EB, 16), jnp.float32)
    zacc = jnp.zeros((n_pad, d), jnp.float32)

    deg16 = _sc_degree(dstp, zed, ones, n_pad, e_work)[:, :n]

    bm = 1000 if n % 1000 == 0 else 8
    b1r = b1.reshape(1, d)
    b2r = b2.reshape(1, d)

    g1 = _tc_scale_matmul(x, W1, deg16, bm)
    acc1 = _sc_spmm(g1, srcp, dstp, zacc, n_pad, e_work)[:, :n]
    g2 = _tc_mid(acc1, g1, deg16, b1r, W2, bm)
    acc2 = _sc_spmm(g2, srcp, dstp, zacc, n_pad, e_work)[:, :n]
    return _tc_final(acc2, g2, deg16, b2r, bm)

# --- scband reference (transcript-rebuilt; emitter-appended) ---
"""Pipeline reference for scband-gcn-56788057587833 (READ-ONLY COPY).

The authoritative reference and input builder live on the scoring server;
editing this copy changes nothing except your own understanding.
"""

import jax, jax.numpy as jnp
import numpy as np

N_NODES = 10000
N_EDGES = 320000
D_IN = 128
D_HID = 128
D_OUT = 128


def setup_inputs(seed: int = 0) -> dict:
    key = jax.random.key(seed)
    k1, k2, k3, k4, k5, k6, k7 = jax.random.split(key, 7)
    x = jax.random.normal(k1, (N_NODES, D_IN), dtype=jnp.float32)
    edge_index = jax.random.randint(k2, (2, N_EDGES), 0, N_NODES)
    # Glorot-style init for GCN layer weights, zeros for bias (matches PyG GCNConv defaults)
    s1 = float(np.sqrt(6.0 / (D_IN + D_HID)))
    s2 = float(np.sqrt(6.0 / (D_HID + D_OUT)))
    W1 = jax.random.uniform(k3, (D_IN, D_HID), dtype=jnp.float32, minval=-s1, maxval=s1)
    b1 = jnp.zeros((D_HID,), dtype=jnp.float32)
    W2 = jax.random.uniform(k4, (D_HID, D_OUT), dtype=jnp.float32, minval=-s2, maxval=s2)
    b2 = jnp.zeros((D_OUT,), dtype=jnp.float32)
    return {"x": x, "edge_index": edge_index, "W1": W1, "b1": b1, "W2": W2, "b2": b2}


def _gcn_conv(x, src, dst, W, b, n_nodes):
    # x: [N, d_in] -> [N, d_out]; symmetric-normalized propagation with self-loops (PyG GCNConv)
    h = x @ W
    deg = jnp.zeros((n_nodes,), dtype=h.dtype).at[dst].add(1.0)
    deg_inv_sqrt = jnp.where(deg > 0, jax.lax.rsqrt(jnp.maximum(deg, 1e-12)), 0.0)
    norm = deg_inv_sqrt[src] * deg_inv_sqrt[dst]
    msgs = h[src] * norm[:, None]
    out = jnp.zeros((n_nodes, h.shape[1]), dtype=h.dtype).at[dst].add(msgs)
    return out + b


def reference(x, edge_index, W1, b1, W2, b2):
    n_nodes = x.shape[0]
    loop = jnp.arange(n_nodes, dtype=edge_index.dtype)
    src = jnp.concatenate([edge_index[0], loop])
    dst = jnp.concatenate([edge_index[1], loop])
    h = _gcn_conv(x, src, dst, W1, b1, n_nodes)
    h = jax.nn.relu(h)
    out = _gcn_conv(h, src, dst, W2, b2, n_nodes)
    return out

if __name__ == "__main__":
    import jax
    _d = setup_inputs()
    print(jax.jit(kernel)(*tuple(_d.values())))

</pallas_src>

<mosaic_0001>
#map = affine_map<(d0, d1) -> (0, 0)>
#map1 = affine_map<(d0, d1) -> (0)>
#map2 = affine_map<(d0, d1) -> (0, 0, 0)>
module attributes {stable_mosaic.version = 14 : i64} {
  func.func @k(%arg0: i32, %arg1: i32, %arg2: memref<10000x128xf32, #tpu.memory_space<hbm>>, %arg3: memref<327936xi32, #tpu.memory_space<hbm>>, %arg4: memref<327936xi32, #tpu.memory_space<hbm>>, %arg5: memref<10112x128xf32, #tpu.memory_space<hbm>>, %arg6: memref<2x10112x128xf32, #tpu.memory_space<hbm>>, %arg7: memref<128xi32, #tpu.memory_space<vmem>>, %arg8: memref<128xi32, #tpu.memory_space<vmem>>, %arg9: memref<128x128xf32, #tpu.memory_space<vmem>>, %arg10: memref<!tpu.dma_semaphore, #tpu.memory_space<semaphore_mem>>, %arg11: memref<10112x128xf32, #tpu.memory_space<vmem_shared>>) attributes {dimension_semantics = [#tpu.dimension_semantics<core_parallel>, #tpu.dimension_semantics<subcore_parallel>], iteration_bounds = array<i64: 2, 16>, scalar_prefetch = 0 : i64, scratch_operands = 5 : i64, tpu.core_type = #tpu.core_type<sc_vector_subcore>, window_params = [{transform_indices = #map}, {transform_indices = #map1}, {transform_indices = #map1}, {transform_indices = #map}, {transform_indices = #map2}]} {
    %mul3A = arith.constant 2 : i32
    %mul3A_0 = arith.muli %arg1, %mul3A : i32
    %add3A = arith.addi %mul3A_0, %arg0 : i32
    %mul3A_1 = arith.constant 10240 : i32
    %mul3A_2 = arith.muli %add3A, %mul3A_1 : i32
    %mul3A_3 = arith.constant 632 : i32
    %mul3A_4 = arith.muli %arg1, %mul3A_3 : i32
    %mul3A_5 = arith.constant 632 : i32
    %mul3A_6 = arith.muli %arg1, %mul3A_5 : i32
    "tpu.region"() ({
      %run_scoped3A = tpu.sem_alloc : memref<!tpu.dma_semaphore, #tpu.memory_space<semaphore_mem>>
      %dma_start3A = arith.constant 0 : i32
      %dma_start3A_17 = tpu.memref_slice %arg11[%mul3A_6, %dma_start3A] : memref<10112x128xf32, #tpu.memory_space<vmem_shared>> -> memref<632x128xf32, #tpu.memory_space<vmem_shared>>
      %dma_start3A_18 = arith.constant 0 : i32
      %dma_start3A_19 = tpu.memref_slice %arg5[%mul3A_4, %dma_start3A_18] : memref<10112x128xf32, #tpu.memory_space<hbm>> -> memref<632x128xf32, #tpu.memory_space<hbm>>
      tpu.enqueue_dma source(%dma_start3A_19 : memref<632x128xf32, #tpu.memory_space<hbm>>) target(%dma_start3A_17 : memref<632x128xf32, #tpu.memory_space<vmem_shared>>) target_semaphore(%run_scoped3A : memref<!tpu.dma_semaphore, #tpu.memory_space<semaphore_mem>>)
      %dma_wait3A = arith.constant 0 : i32
      %dma_wait3A_20 = tpu.memref_slice %arg11[%mul3A_6, %dma_wait3A] : memref<10112x128xf32, #tpu.memory_space<vmem_shared>> -> memref<632x128xf32, #tpu.memory_space<vmem_shared>>
      %dma_wait3A_21 = arith.constant 0 : i32
      %dma_wait3A_22 = tpu.memref_slice %arg5[%mul3A_4, %dma_wait3A_21] : memref<10112x128xf32, #tpu.memory_space<hbm>> -> memref<632x128xf32, #tpu.memory_space<hbm>>
      tpu.wait_dma2 semaphore(%run_scoped3A : memref<!tpu.dma_semaphore, #tpu.memory_space<semaphore_mem>>) src(%dma_wait3A_22 : memref<632x128xf32, #tpu.memory_space<hbm>>) dst(%dma_wait3A_20 : memref<632x128xf32, #tpu.memory_space<vmem_shared>>)
      tpu.yield
    }) : () -> ()
    %barrier3A = arith.constant 0 : index
    tpu.barrier barrier_id(%barrier3A)
    %scan3A = arith.constant 0 : i32
    %scan3A_7 = arith.constant 0 : i32
    %scan3A_8 = arith.constant 80 : i32
    %scan3A_9 = arith.addi %scan3A_7, %scan3A_8 : i32
    %scan3A_10 = arith.constant 1 : i32
    scf.for %scan3A_17 = %scan3A_7 to %scan3A_9 step %scan3A_10  : i32 {
      %mul3A_18 = arith.constant 128 : i32
      %mul3A_19 = arith.muli %scan3A_17, %mul3A_18 : i32
      %add3A_20 = arith.addi %mul3A_2, %mul3A_19 : i32
      "tpu.region"() ({
        %run_scoped3A = tpu.sem_alloc : memref<!tpu.dma_semaphore, #tpu.memory_space<semaphore_mem>>
        %dma_start3A_25 = tpu.memref_slice %arg3[%add3A_20] : memref<327936xi32, #tpu.memory_space<hbm>> -> memref<128xi32, #tpu.memory_space<hbm>>
        %dma_start3A_26 = tpu.memref_slice %arg3[%add3A_20] : memref<327936xi32, #tpu.memory_space<hbm>> -> memref<128xi32, #tpu.memory_space<hbm>>
        tpu.enqueue_dma source(%dma_start3A_26 : memref<128xi32, #tpu.memory_space<hbm>>) target(%arg7 : memref<128xi32, #tpu.memory_space<vmem>>) target_semaphore(%run_scoped3A : memref<!tpu.dma_semaphore, #tpu.memory_space<semaphore_mem>>)
        %dma_wait3A_27 = tpu.memref_slice %arg3[%add3A_20] : memref<327936xi32, #tpu.memory_space<hbm>> -> memref<128xi32, #tpu.memory_space<hbm>>
        %dma_wait3A_28 = tpu.memref_slice %arg3[%add3A_20] : memref<327936xi32, #tpu.memory_space<hbm>> -> memref<128xi32, #tpu.memory_space<hbm>>
        tpu.wait_dma2 semaphore(%run_scoped3A : memref<!tpu.dma_semaphore, #tpu.memory_space<semaphore_mem>>) src(%dma_wait3A_28 : memref<128xi32, #tpu.memory_space<hbm>>) dst(%arg7 : memref<128xi32, #tpu.memory_space<vmem>>)
        tpu.yield
      }) : () -> ()
      "tpu.region"() ({
        %run_scoped3A = tpu.sem_alloc : memref<!tpu.dma_semaphore, #tpu.memory_space<semaphore_mem>>
        %dma_start3A_25 = tpu.memref_slice %arg4[%add3A_20] : memref<327936xi32, #tpu.memory_space<hbm>> -> memref<128xi32, #tpu.memory_space<hbm>>
        %dma_start3A_26 = tpu.memref_slice %arg4[%add3A_20] : memref<327936xi32, #tpu.memory_space<hbm>> -> memref<128xi32, #tpu.memory_space<hbm>>
        tpu.enqueue_dma source(%dma_start3A_26 : memref<128xi32, #tpu.memory_space<hbm>>) target(%arg8 : memref<128xi32, #tpu.memory_space<vmem>>) target_semaphore(%run_scoped3A : memref<!tpu.dma_semaphore, #tpu.memory_space<semaphore_mem>>)
        %dma_wait3A_27 = tpu.memref_slice %arg4[%add3A_20] : memref<327936xi32, #tpu.memory_space<hbm>> -> memref<128xi32, #tpu.memory_space<hbm>>
        %dma_wait3A_28 = tpu.memref_slice %arg4[%add3A_20] : memref<327936xi32, #tpu.memory_space<hbm>> -> memref<128xi32, #tpu.memory_space<hbm>>
        tpu.wait_dma2 semaphore(%run_scoped3A : memref<!tpu.dma_semaphore, #tpu.memory_space<semaphore_mem>>) src(%dma_wait3A_28 : memref<128xi32, #tpu.memory_space<hbm>>) dst(%arg8 : memref<128xi32, #tpu.memory_space<vmem>>)
        tpu.yield
      }) : () -> ()
      %dma_start3A = arith.constant 0 : i32
      %dma_start3A_21 = arith.constant 0 : i32
      %dma_start3A_22 = tpu.memref_slice %arg2[%dma_start3A, %dma_start3A_21] : memref<10000x128xf32, #tpu.memory_space<hbm>> -> memref<10000x128xf32, #tpu.memory_space<hbm>>
      tpu.enqueue_indirect_dma source(%dma_start3A_22 : memref<10000x128xf32, #tpu.memory_space<hbm>>) target(%arg9 : memref<128x128xf32, #tpu.memory_space<vmem>>) offsets(%arg7 : memref<128xi32, #tpu.memory_space<vmem>>) semaphore(%arg10 : memref<!tpu.dma_semaphore, #tpu.memory_space<semaphore_mem>>)
      %dma_wait3A = arith.constant 0 : i32
      %dma_wait3A_23 = arith.constant 0 : i32
      %dma_wait3A_24 = tpu.memref_slice %arg2[%dma_wait3A, %dma_wait3A_23] : memref<10000x128xf32, #tpu.memory_space<hbm>> -> memref<10000x128xf32, #tpu.memory_space<hbm>>
      tpu.wait_indirect_dma semaphore(%arg10 : memref<!tpu.dma_semaphore, #tpu.memory_space<semaphore_mem>>) src(%dma_wait3A_24 : memref<10000x128xf32, #tpu.memory_space<hbm>>) dst(%arg9 : memref<128x128xf32, #tpu.memory_space<vmem>>)
      "tpu.region"() ({
        %run_scoped3A = tpu.sem_alloc : memref<!tpu.dma_semaphore, #tpu.memory_space<semaphore_mem>>
        %dma_start3A_25 = arith.constant 0 : i32
        %dma_start3A_26 = arith.constant 0 : i32
        %dma_start3A_27 = tpu.memref_slice %arg11[%dma_start3A_25, %dma_start3A_26] : memref<10112x128xf32, #tpu.memory_space<vmem_shared>> -> memref<10112x128xf32, #tpu.memory_space<vmem_shared>>
        tpu.enqueue_indirect_dma source(%arg9 : memref<128x128xf32, #tpu.memory_space<vmem>>) target(%dma_start3A_27 : memref<10112x128xf32, #tpu.memory_space<vmem_shared>>) offsets(%arg8 : memref<128xi32, #tpu.memory_space<vmem>>) semaphore(%run_scoped3A : memref<!tpu.dma_semaphore, #tpu.memory_space<semaphore_mem>>) {add = true}
        %dma_wait3A_28 = arith.constant 0 : i32
        %dma_wait3A_29 = arith.constant 0 : i32
        %dma_wait3A_30 = tpu.memref_slice %arg11[%dma_wait3A_28, %dma_wait3A_29] : memref<10112x128xf32, #tpu.memory_space<vmem_shared>> -> memref<10112x128xf32, #tpu.memory_space<vmem_shared>>
        tpu.wait_indirect_dma semaphore(%run_scoped3A : memref<!tpu.dma_semaphore, #tpu.memory_space<semaphore_mem>>) src(%arg9 : memref<128x128xf32, #tpu.memory_space<vmem>>) dst(%dma_wait3A_30 : memref<10112x128xf32, #tpu.memory_space<vmem_shared>>)
        tpu.yield
      }) : () -> ()
    }
    %scan3A_11 = arith.constant 80 : i32
    %barrier3A_12 = arith.constant 0 : index
    tpu.barrier barrier_id(%barrier3A_12)
    %mul3A_13 = arith.constant 632 : i32
    %mul3A_14 = arith.muli %arg1, %mul3A_13 : i32
    %mul3A_15 = arith.constant 632 : i32
    %mul3A_16 = arith.muli %arg1, %mul3A_15 : i32
    "tpu.region"() ({
      %run_scoped3A = tpu.sem_alloc : memref<!tpu.dma_semaphore, #tpu.memory_space<semaphore_mem>>
      %dma_start3A = arith.constant 0 : i32
      %dma_start3A_17 = tpu.memref_slice %arg6[%arg0, %mul3A_16, %dma_start3A] : memref<2x10112x128xf32, #tpu.memory_space<hbm>> -> memref<1x632x128xf32, #tpu.memory_space<hbm>>
      %dma_start3A_18 = tpu.memref_squeeze %dma_start3A_17 : memref<1x632x128xf32, #tpu.memory_space<hbm>> -> memref<632x128xf32, #tpu.memory_space<hbm>>
      %dma_start3A_19 = arith.constant 0 : i32
      %dma_start3A_20 = tpu.memref_slice %arg11[%mul3A_14, %dma_start3A_19] : memref<10112x128xf32, #tpu.memory_space<vmem_shared>> -> memref<632x128xf32, #tpu.memory_space<vmem_shared>>
      tpu.enqueue_dma source(%dma_start3A_20 : memref<632x128xf32, #tpu.memory_space<vmem_shared>>) target(%dma_start3A_18 : memref<632x128xf32, #tpu.memory_space<hbm>>) target_semaphore(%run_scoped3A : memref<!tpu.dma_semaphore, #tpu.memory_space<semaphore_mem>>)
      %dma_wait3A = arith.constant 0 : i32
      %dma_wait3A_21 = tpu.memref_slice %arg6[%arg0, %mul3A_16, %dma_wait3A] : memref<2x10112x128xf32, #tpu.memory_space<hbm>> -> memref<1x632x128xf32, #tpu.memory_space<hbm>>
      %dma_wait3A_22 = tpu.memref_squeeze %dma_wait3A_21 : memref<1x632x128xf32, #tpu.memory_space<hbm>> -> memref<632x128xf32, #tpu.memory_space<hbm>>
      %dma_wait3A_23 = arith.constant 0 : i32
      %dma_wait3A_24 = tpu.memref_slice %arg11[%mul3A_14, %dma_wait3A_23] : memref<10112x128xf32, #tpu.memory_space<vmem_shared>> -> memref<632x128xf32, #tpu.memory_space<vmem_shared>>
      tpu.wait_dma2 semaphore(%run_scoped3A : memref<!tpu.dma_semaphore, #tpu.memory_space<semaphore_mem>>) src(%dma_wait3A_24 : memref<632x128xf32, #tpu.memory_space<vmem_shared>>) dst(%dma_wait3A_22 : memref<632x128xf32, #tpu.memory_space<hbm>>)
      tpu.yield
    }) : () -> ()
    return
  }
}

#map = affine_map<(d0, d1) -> (0)>
#map1 = affine_map<(d0, d1) -> (0, 0)>
#map2 = affine_map<(d0, d1) -> (0, 0, 0)>
module attributes {stable_mosaic.version = 14 : i64} {
  func.func @k(%arg0: i32, %arg1: i32, %arg2: memref<327936xi32, #tpu.memory_space<hbm>>, %arg3: memref<10112x16xf32, #tpu.memory_space<hbm>>, %arg4: memref<128x16xf32, #tpu.memory_space<hbm>>, %arg5: memref<2x10112x16xf32, #tpu.memory_space<hbm>>, %arg6: memref<128xi32, #tpu.memory_space<vmem>>, %arg7: memref<128x16xf32, #tpu.memory_space<vmem>>, %arg8: memref<10112x16xf32, #tpu.memory_space<vmem_shared>>) attributes {dimension_semantics = [#tpu.dimension_semantics<core_parallel>, #tpu.dimension_semantics<subcore_parallel>], iteration_bounds = array<i64: 2, 16>, scalar_prefetch = 0 : i64, scratch_operands = 3 : i64, tpu.core_type = #tpu.core_type<sc_vector_subcore>, window_params = [{transform_indices = #map}, {transform_indices = #map1}, {transform_indices = #map1}, {transform_indices = #map2}]} {
    %mul3A = arith.constant 2 : i32
    %mul3A_0 = arith.muli %arg1, %mul3A : i32
    %add3A = arith.addi %mul3A_0, %arg0 : i32
    "tpu.region"() ({
      %run_scoped3A = tpu.sem_alloc : memref<!tpu.dma_semaphore, #tpu.memory_space<semaphore_mem>>
      tpu.enqueue_dma source(%arg4 : memref<128x16xf32, #tpu.memory_space<hbm>>) target(%arg7 : memref<128x16xf32, #tpu.memory_space<vmem>>) target_semaphore(%run_scoped3A : memref<!tpu.dma_semaphore, #tpu.memory_space<semaphore_mem>>)
      tpu.wait_dma2 semaphore(%run_scoped3A : memref<!tpu.dma_semaphore, #tpu.memory_space<semaphore_mem>>) src(%arg4 : memref<128x16xf32, #tpu.memory_space<hbm>>) dst(%arg7 : memref<128x16xf32, #tpu.memory_space<vmem>>)
      tpu.yield
    }) : () -> ()
    %mul3A_1 = arith.constant 632 : i32
    %mul3A_2 = arith.muli %arg1, %mul3A_1 : i32
    %mul3A_3 = arith.constant 632 : i32
    %mul3A_4 = arith.muli %arg1, %mul3A_3 : i32
    "tpu.region"() ({
      %run_scoped3A = tpu.sem_alloc : memref<!tpu.dma_semaphore, #tpu.memory_space<semaphore_mem>>
      %dma_start3A = arith.constant 0 : i32
      %dma_start3A_15 = tpu.memref_slice %arg8[%mul3A_4, %dma_start3A] : memref<10112x16xf32, #tpu.memory_space<vmem_shared>> -> memref<632x16xf32, #tpu.memory_space<vmem_shared>>
      %dma_start3A_16 = arith.constant 0 : i32
      %dma_start3A_17 = tpu.memref_slice %arg3[%mul3A_2, %dma_start3A_16] : memref<10112x16xf32, #tpu.memory_space<hbm>> -> memref<632x16xf32, #tpu.memory_space<hbm>>
      tpu.enqueue_dma source(%dma_start3A_17 : memref<632x16xf32, #tpu.memory_space<hbm>>) target(%dma_start3A_15 : memref<632x16xf32, #tpu.memory_space<vmem_shared>>) target_semaphore(%run_scoped3A : memref<!tpu.dma_semaphore, #tpu.memory_space<semaphore_mem>>)
      %dma_wait3A = arith.constant 0 : i32
      %dma_wait3A_18 = tpu.memref_slice %arg8[%mul3A_4, %dma_wait3A] : memref<10112x16xf32, #tpu.memory_space<vmem_shared>> -> memref<632x16xf32, #tpu.memory_space<vmem_shared>>
      %dma_wait3A_19 = arith.constant 0 : i32
      %dma_wait3A_20 = tpu.memref_slice %arg3[%mul3A_2, %dma_wait3A_19] : memref<10112x16xf32, #tpu.memory_space<hbm>> -> memref<632x16xf32, #tpu.memory_space<hbm>>
      tpu.wait_dma2 semaphore(%run_scoped3A : memref<!tpu.dma_semaphore, #tpu.memory_space<semaphore_mem>>) src(%dma_wait3A_20 : memref<632x16xf32, #tpu.memory_space<hbm>>) dst(%dma_wait3A_18 : memref<632x16xf32, #tpu.memory_space<vmem_shared>>)
      tpu.yield
    }) : () -> ()
    %barrier3A = arith.constant 0 : index
    tpu.barrier barrier_id(%barrier3A)
    %scan3A = arith.constant 0 : i32
    %scan3A_5 = arith.constant 0 : i32
    %scan3A_6 = arith.constant 80 : i32
    %scan3A_7 = arith.addi %scan3A_5, %scan3A_6 : i32
    %scan3A_8 = arith.constant 1 : i32
    scf.for %scan3A_15 = %scan3A_5 to %scan3A_7 step %scan3A_8  : i32 {
      %mul3A_16 = arith.constant 10240 : i32
      %mul3A_17 = arith.muli %add3A, %mul3A_16 : i32
      %mul3A_18 = arith.constant 128 : i32
      %mul3A_19 = arith.muli %scan3A_15, %mul3A_18 : i32
      %add3A_20 = arith.addi %mul3A_17, %mul3A_19 : i32
      "tpu.region"() ({
        %run_scoped3A = tpu.sem_alloc : memref<!tpu.dma_semaphore, #tpu.memory_space<semaphore_mem>>
        %dma_start3A = tpu.memref_slice %arg2[%add3A_20] : memref<327936xi32, #tpu.memory_space<hbm>> -> memref<128xi32, #tpu.memory_space<hbm>>
        %dma_start3A_21 = tpu.memref_slice %arg2[%add3A_20] : memref<327936xi32, #tpu.memory_space<hbm>> -> memref<128xi32, #tpu.memory_space<hbm>>
        tpu.enqueue_dma source(%dma_start3A_21 : memref<128xi32, #tpu.memory_space<hbm>>) target(%arg6 : memref<128xi32, #tpu.memory_space<vmem>>) target_semaphore(%run_scoped3A : memref<!tpu.dma_semaphore, #tpu.memory_space<semaphore_mem>>)
        %dma_wait3A = tpu.memref_slice %arg2[%add3A_20] : memref<327936xi32, #tpu.memory_space<hbm>> -> memref<128xi32, #tpu.memory_space<hbm>>
        %dma_wait3A_22 = tpu.memref_slice %arg2[%add3A_20] : memref<327936xi32, #tpu.memory_space<hbm>> -> memref<128xi32, #tpu.memory_space<hbm>>
        tpu.wait_dma2 semaphore(%run_scoped3A : memref<!tpu.dma_semaphore, #tpu.memory_space<semaphore_mem>>) src(%dma_wait3A_22 : memref<128xi32, #tpu.memory_space<hbm>>) dst(%arg6 : memref<128xi32, #tpu.memory_space<vmem>>)
        tpu.yield
      }) : () -> ()
      "tpu.region"() ({
        %run_scoped3A = tpu.sem_alloc : memref<!tpu.dma_semaphore, #tpu.memory_space<semaphore_mem>>
        %dma_start3A = arith.constant 0 : i32
        %dma_start3A_21 = arith.constant 0 : i32
        %dma_start3A_22 = tpu.memref_slice %arg8[%dma_start3A, %dma_start3A_21] : memref<10112x16xf32, #tpu.memory_space<vmem_shared>> -> memref<10112x16xf32, #tpu.memory_space<vmem_shared>>
        tpu.enqueue_indirect_dma source(%arg7 : memref<128x16xf32, #tpu.memory_space<vmem>>) target(%dma_start3A_22 : memref<10112x16xf32, #tpu.memory_space<vmem_shared>>) offsets(%arg6 : memref<128xi32, #tpu.memory_space<vmem>>) semaphore(%run_scoped3A : memref<!tpu.dma_semaphore, #tpu.memory_space<semaphore_mem>>) {add = true}
        %dma_wait3A = arith.constant 0 : i32
        %dma_wait3A_23 = arith.constant 0 : i32
        %dma_wait3A_24 = tpu.memref_slice %arg8[%dma_wait3A, %dma_wait3A_23] : memref<10112x16xf32, #tpu.memory_space<vmem_shared>> -> memref<10112x16xf32, #tpu.memory_space<vmem_shared>>
        tpu.wait_indirect_dma semaphore(%run_scoped3A : memref<!tpu.dma_semaphore, #tpu.memory_space<semaphore_mem>>) src(%arg7 : memref<128x16xf32, #tpu.memory_space<vmem>>) dst(%dma_wait3A_24 : memref<10112x16xf32, #tpu.memory_space<vmem_shared>>)
        tpu.yield
      }) : () -> ()
    }
    %scan3A_9 = arith.constant 80 : i32
    %barrier3A_10 = arith.constant 0 : index
    tpu.barrier barrier_id(%barrier3A_10)
    %mul3A_11 = arith.constant 632 : i32
    %mul3A_12 = arith.muli %arg1, %mul3A_11 : i32
    %mul3A_13 = arith.constant 632 : i32
    %mul3A_14 = arith.muli %arg1, %mul3A_13 : i32
    "tpu.region"() ({
      %run_scoped3A = tpu.sem_alloc : memref<!tpu.dma_semaphore, #tpu.memory_space<semaphore_mem>>
      %dma_start3A = arith.constant 0 : i32
      %dma_start3A_15 = tpu.memref_slice %arg5[%arg0, %mul3A_14, %dma_start3A] : memref<2x10112x16xf32, #tpu.memory_space<hbm>> -> memref<1x632x16xf32, #tpu.memory_space<hbm>>
      %dma_start3A_16 = tpu.memref_squeeze %dma_start3A_15 : memref<1x632x16xf32, #tpu.memory_space<hbm>> -> memref<632x16xf32, #tpu.memory_space<hbm>>
      %dma_start3A_17 = arith.constant 0 : i32
      %dma_start3A_18 = tpu.memref_slice %arg8[%mul3A_12, %dma_start3A_17] : memref<10112x16xf32, #tpu.memory_space<vmem_shared>> -> memref<632x16xf32, #tpu.memory_space<vmem_shared>>
      tpu.enqueue_dma source(%dma_start3A_18 : memref<632x16xf32, #tpu.memory_space<vmem_shared>>) target(%dma_start3A_16 : memref<632x16xf32, #tpu.memory_space<hbm>>) target_semaphore(%run_scoped3A : memref<!tpu.dma_semaphore, #tpu.memory_space<semaphore_mem>>)
      %dma_wait3A = arith.constant 0 : i32
      %dma_wait3A_19 = tpu.memref_slice %arg5[%arg0, %mul3A_14, %dma_wait3A] : memref<2x10112x16xf32, #tpu.memory_space<hbm>> -> memref<1x632x16xf32, #tpu.memory_space<hbm>>
      %dma_wait3A_20 = tpu.memref_squeeze %dma_wait3A_19 : memref<1x632x16xf32, #tpu.memory_space<hbm>> -> memref<632x16xf32, #tpu.memory_space<hbm>>
      %dma_wait3A_21 = arith.constant 0 : i32
      %dma_wait3A_22 = tpu.memref_slice %arg8[%mul3A_12, %dma_wait3A_21] : memref<10112x16xf32, #tpu.memory_space<vmem_shared>> -> memref<632x16xf32, #tpu.memory_space<vmem_shared>>
      tpu.wait_dma2 semaphore(%run_scoped3A : memref<!tpu.dma_semaphore, #tpu.memory_space<semaphore_mem>>) src(%dma_wait3A_22 : memref<632x16xf32, #tpu.memory_space<vmem_shared>>) dst(%dma_wait3A_20 : memref<632x16xf32, #tpu.memory_space<hbm>>)
      tpu.yield
    }) : () -> ()
    return
  }
}

#map = affine_map<(d0, d1) -> (0, 0)>
#map1 = affine_map<(d0, d1) -> (0)>
#map2 = affine_map<(d0, d1) -> (0, 0, 0)>
module attributes {stable_mosaic.version = 14 : i64} {
  func.func @k(%arg0: i32, %arg1: i32, %arg2: memref<10000x128xf32, #tpu.memory_space<hbm>>, %arg3: memref<327936xi32, #tpu.memory_space<hbm>>, %arg4: memref<327936xi32, #tpu.memory_space<hbm>>, %arg5: memref<10112x128xf32, #tpu.memory_space<hbm>>, %arg6: memref<2x10112x128xf32, #tpu.memory_space<hbm>>, %arg7: memref<128xi32, #tpu.memory_space<vmem>>, %arg8: memref<128xi32, #tpu.memory_space<vmem>>, %arg9: memref<128x128xf32, #tpu.memory_space<vmem>>, %arg10: memref<!tpu.dma_semaphore, #tpu.memory_space<semaphore_mem>>, %arg11: memref<10112x128xf32, #tpu.memory_space<vmem_shared>>) attributes {dimension_semantics = [#tpu.dimension_semantics<core_parallel>, #tpu.dimension_semantics<subcore_parallel>], iteration_bounds = array<i64: 2, 16>, scalar_prefetch = 0 : i64, scratch_operands = 5 : i64, tpu.core_type = #tpu.core_type<sc_vector_subcore>, window_params = [{transform_indices = #map}, {transform_indices = #map1}, {transform_indices = #map1}, {transform_indices = #map}, {transform_indices = #map2}]} {
    %mul3A = arith.constant 2 : i32
    %mul3A_0 = arith.muli %arg1, %mul3A : i32
    %add3A = arith.addi %mul3A_0, %arg0 : i32
    %mul3A_1 = arith.constant 10240 : i32
    %mul3A_2 = arith.muli %add3A, %mul3A_1 : i32
    %mul3A_3 = arith.constant 632 : i32
    %mul3A_4 = arith.muli %arg1, %mul3A_3 : i32
    %mul3A_5 = arith.constant 632 : i32
    %mul3A_6 = arith.muli %arg1, %mul3A_5 : i32
    "tpu.region"() ({
      %run_scoped3A = tpu.sem_alloc : memref<!tpu.dma_semaphore, #tpu.memory_space<semaphore_mem>>
      %dma_start3A = arith.constant 0 : i32
      %dma_start3A_17 = tpu.memref_slice %arg11[%mul3A_6, %dma_start3A] : memref<10112x128xf32, #tpu.memory_space<vmem_shared>> -> memref<632x128xf32, #tpu.memory_space<vmem_shared>>
      %dma_start3A_18 = arith.constant 0 : i32
      %dma_start3A_19 = tpu.memref_slice %arg5[%mul3A_4, %dma_start3A_18] : memref<10112x128xf32, #tpu.memory_space<hbm>> -> memref<632x128xf32, #tpu.memory_space<hbm>>
      tpu.enqueue_dma source(%dma_start3A_19 : memref<632x128xf32, #tpu.memory_space<hbm>>) target(%dma_start3A_17 : memref<632x128xf32, #tpu.memory_space<vmem_shared>>) target_semaphore(%run_scoped3A : memref<!tpu.dma_semaphore, #tpu.memory_space<semaphore_mem>>)
      %dma_wait3A = arith.constant 0 : i32
      %dma_wait3A_20 = tpu.memref_slice %arg11[%mul3A_6, %dma_wait3A] : memref<10112x128xf32, #tpu.memory_space<vmem_shared>> -> memref<632x128xf32, #tpu.memory_space<vmem_shared>>
      %dma_wait3A_21 = arith.constant 0 : i32
      %dma_wait3A_22 = tpu.memref_slice %arg5[%mul3A_4, %dma_wait3A_21] : memref<10112x128xf32, #tpu.memory_space<hbm>> -> memref<632x128xf32, #tpu.memory_space<hbm>>
      tpu.wait_dma2 semaphore(%run_scoped3A : memref<!tpu.dma_semaphore, #tpu.memory_space<semaphore_mem>>) src(%dma_wait3A_22 : memref<632x128xf32, #tpu.memory_space<hbm>>) dst(%dma_wait3A_20 : memref<632x128xf32, #tpu.memory_space<vmem_shared>>)
      tpu.yield
    }) : () -> ()
    %barrier3A = arith.constant 0 : index
    tpu.barrier barrier_id(%barrier3A)
    %scan3A = arith.constant 0 : i32
    %scan3A_7 = arith.constant 0 : i32
    %scan3A_8 = arith.constant 80 : i32
    %scan3A_9 = arith.addi %scan3A_7, %scan3A_8 : i32
    %scan3A_10 = arith.constant 1 : i32
    scf.for %scan3A_17 = %scan3A_7 to %scan3A_9 step %scan3A_10  : i32 {
      %mul3A_18 = arith.constant 128 : i32
      %mul3A_19 = arith.muli %scan3A_17, %mul3A_18 : i32
      %add3A_20 = arith.addi %mul3A_2, %mul3A_19 : i32
      "tpu.region"() ({
        %run_scoped3A = tpu.sem_alloc : memref<!tpu.dma_semaphore, #tpu.memory_space<semaphore_mem>>
        %dma_start3A_25 = tpu.memref_slice %arg3[%add3A_20] : memref<327936xi32, #tpu.memory_space<hbm>> -> memref<128xi32, #tpu.memory_space<hbm>>
        %dma_start3A_26 = tpu.memref_slice %arg3[%add3A_20] : memref<327936xi32, #tpu.memory_space<hbm>> -> memref<128xi32, #tpu.memory_space<hbm>>
        tpu.enqueue_dma source(%dma_start3A_26 : memref<128xi32, #tpu.memory_space<hbm>>) target(%arg7 : memref<128xi32, #tpu.memory_space<vmem>>) target_semaphore(%run_scoped3A : memref<!tpu.dma_semaphore, #tpu.memory_space<semaphore_mem>>)
        %dma_wait3A_27 = tpu.memref_slice %arg3[%add3A_20] : memref<327936xi32, #tpu.memory_space<hbm>> -> memref<128xi32, #tpu.memory_space<hbm>>
        %dma_wait3A_28 = tpu.memref_slice %arg3[%add3A_20] : memref<327936xi32, #tpu.memory_space<hbm>> -> memref<128xi32, #tpu.memory_space<hbm>>
        tpu.wait_dma2 semaphore(%run_scoped3A : memref<!tpu.dma_semaphore, #tpu.memory_space<semaphore_mem>>) src(%dma_wait3A_28 : memref<128xi32, #tpu.memory_space<hbm>>) dst(%arg7 : memref<128xi32, #tpu.memory_space<vmem>>)
        tpu.yield
      }) : () -> ()
      "tpu.region"() ({
        %run_scoped3A = tpu.sem_alloc : memref<!tpu.dma_semaphore, #tpu.memory_space<semaphore_mem>>
        %dma_start3A_25 = tpu.memref_slice %arg4[%add3A_20] : memref<327936xi32, #tpu.memory_space<hbm>> -> memref<128xi32, #tpu.memory_space<hbm>>
        %dma_start3A_26 = tpu.memref_slice %arg4[%add3A_20] : memref<327936xi32, #tpu.memory_space<hbm>> -> memref<128xi32, #tpu.memory_space<hbm>>
        tpu.enqueue_dma source(%dma_start3A_26 : memref<128xi32, #tpu.memory_space<hbm>>) target(%arg8 : memref<128xi32, #tpu.memory_space<vmem>>) target_semaphore(%run_scoped3A : memref<!tpu.dma_semaphore, #tpu.memory_space<semaphore_mem>>)
        %dma_wait3A_27 = tpu.memref_slice %arg4[%add3A_20] : memref<327936xi32, #tpu.memory_space<hbm>> -> memref<128xi32, #tpu.memory_space<hbm>>
        %dma_wait3A_28 = tpu.memref_slice %arg4[%add3A_20] : memref<327936xi32, #tpu.memory_space<hbm>> -> memref<128xi32, #tpu.memory_space<hbm>>
        tpu.wait_dma2 semaphore(%run_scoped3A : memref<!tpu.dma_semaphore, #tpu.memory_space<semaphore_mem>>) src(%dma_wait3A_28 : memref<128xi32, #tpu.memory_space<hbm>>) dst(%arg8 : memref<128xi32, #tpu.memory_space<vmem>>)
        tpu.yield
      }) : () -> ()
      %dma_start3A = arith.constant 0 : i32
      %dma_start3A_21 = arith.constant 0 : i32
      %dma_start3A_22 = tpu.memref_slice %arg2[%dma_start3A, %dma_start3A_21] : memref<10000x128xf32, #tpu.memory_space<hbm>> -> memref<10000x128xf32, #tpu.memory_space<hbm>>
      tpu.enqueue_indirect_dma source(%dma_start3A_22 : memref<10000x128xf32, #tpu.memory_space<hbm>>) target(%arg9 : memref<128x128xf32, #tpu.memory_space<vmem>>) offsets(%arg7 : memref<128xi32, #tpu.memory_space<vmem>>) semaphore(%arg10 : memref<!tpu.dma_semaphore, #tpu.memory_space<semaphore_mem>>)
      %dma_wait3A = arith.constant 0 : i32
      %dma_wait3A_23 = arith.constant 0 : i32
      %dma_wait3A_24 = tpu.memref_slice %arg2[%dma_wait3A, %dma_wait3A_23] : memref<10000x128xf32, #tpu.memory_space<hbm>> -> memref<10000x128xf32, #tpu.memory_space<hbm>>
      tpu.wait_indirect_dma semaphore(%arg10 : memref<!tpu.dma_semaphore, #tpu.memory_space<semaphore_mem>>) src(%dma_wait3A_24 : memref<10000x128xf32, #tpu.memory_space<hbm>>) dst(%arg9 : memref<128x128xf32, #tpu.memory_space<vmem>>)
      "tpu.region"() ({
        %run_scoped3A = tpu.sem_alloc : memref<!tpu.dma_semaphore, #tpu.memory_space<semaphore_mem>>
        %dma_start3A_25 = arith.constant 0 : i32
        %dma_start3A_26 = arith.constant 0 : i32
        %dma_start3A_27 = tpu.memref_slice %arg11[%dma_start3A_25, %dma_start3A_26] : memref<10112x128xf32, #tpu.memory_space<vmem_shared>> -> memref<10112x128xf32, #tpu.memory_space<vmem_shared>>
        tpu.enqueue_indirect_dma source(%arg9 : memref<128x128xf32, #tpu.memory_space<vmem>>) target(%dma_start3A_27 : memref<10112x128xf32, #tpu.memory_space<vmem_shared>>) offsets(%arg8 : memref<128xi32, #tpu.memory_space<vmem>>) semaphore(%run_scoped3A : memref<!tpu.dma_semaphore, #tpu.memory_space<semaphore_mem>>) {add = true}
        %dma_wait3A_28 = arith.constant 0 : i32
        %dma_wait3A_29 = arith.constant 0 : i32
        %dma_wait3A_30 = tpu.memref_slice %arg11[%dma_wait3A_28, %dma_wait3A_29] : memref<10112x128xf32, #tpu.memory_space<vmem_shared>> -> memref<10112x128xf32, #tpu.memory_space<vmem_shared>>
        tpu.wait_indirect_dma semaphore(%run_scoped3A : memref<!tpu.dma_semaphore, #tpu.memory_space<semaphore_mem>>) src(%arg9 : memref<128x128xf32, #tpu.memory_space<vmem>>) dst(%dma_wait3A_30 : memref<10112x128xf32, #tpu.memory_space<vmem_shared>>)
        tpu.yield
      }) : () -> ()
    }
    %scan3A_11 = arith.constant 80 : i32
    %barrier3A_12 = arith.constant 0 : index
    tpu.barrier barrier_id(%barrier3A_12)
    %mul3A_13 = arith.constant 632 : i32
    %mul3A_14 = arith.muli %arg1, %mul3A_13 : i32
    %mul3A_15 = arith.constant 632 : i32
    %mul3A_16 = arith.muli %arg1, %mul3A_15 : i32
    "tpu.region"() ({
      %run_scoped3A = tpu.sem_alloc : memref<!tpu.dma_semaphore, #tpu.memory_space<semaphore_mem>>
      %dma_start3A = arith.constant 0 : i32
      %dma_start3A_17 = tpu.memref_slice %arg6[%arg0, %mul3A_16, %dma_start3A] : memref<2x10112x128xf32, #tpu.memory_space<hbm>> -> memref<1x632x128xf32, #tpu.memory_space<hbm>>
      %dma_start3A_18 = tpu.memref_squeeze %dma_start3A_17 : memref<1x632x128xf32, #tpu.memory_space<hbm>> -> memref<632x128xf32, #tpu.memory_space<hbm>>
      %dma_start3A_19 = arith.constant 0 : i32
      %dma_start3A_20 = tpu.memref_slice %arg11[%mul3A_14, %dma_start3A_19] : memref<10112x128xf32, #tpu.memory_space<vmem_shared>> -> memref<632x128xf32, #tpu.memory_space<vmem_shared>>
      tpu.enqueue_dma source(%dma_start3A_20 : memref<632x128xf32, #tpu.memory_space<vmem_shared>>) target(%dma_start3A_18 : memref<632x128xf32, #tpu.memory_space<hbm>>) target_semaphore(%run_scoped3A : memref<!tpu.dma_semaphore, #tpu.memory_space<semaphore_mem>>)
      %dma_wait3A = arith.constant 0 : i32
      %dma_wait3A_21 = tpu.memref_slice %arg6[%arg0, %mul3A_16, %dma_wait3A] : memref<2x10112x128xf32, #tpu.memory_space<hbm>> -> memref<1x632x128xf32, #tpu.memory_space<hbm>>
      %dma_wait3A_22 = tpu.memref_squeeze %dma_wait3A_21 : memref<1x632x128xf32, #tpu.memory_space<hbm>> -> memref<632x128xf32, #tpu.memory_space<hbm>>
      %dma_wait3A_23 = arith.constant 0 : i32
      %dma_wait3A_24 = tpu.memref_slice %arg11[%mul3A_14, %dma_wait3A_23] : memref<10112x128xf32, #tpu.memory_space<vmem_shared>> -> memref<632x128xf32, #tpu.memory_space<vmem_shared>>
      tpu.wait_dma2 semaphore(%run_scoped3A : memref<!tpu.dma_semaphore, #tpu.memory_space<semaphore_mem>>) src(%dma_wait3A_24 : memref<632x128xf32, #tpu.memory_space<vmem_shared>>) dst(%dma_wait3A_22 : memref<632x128xf32, #tpu.memory_space<hbm>>)
      tpu.yield
    }) : () -> ()
    return
  }
}

module attributes {stable_mosaic.version = 14 : i64} {
  func.func @body(%arg0: i32, %arg1: memref<1000x128xf32, #tpu.memory_space<vmem>>, %arg2: memref<128x128xf32, #tpu.memory_space<vmem>>, %arg3: memref<2x1000x16xf32, #tpu.memory_space<vmem>>, %arg4: memref<1000x128xf32, #tpu.memory_space<vmem>>) attributes {dimension_semantics = [#tpu.dimension_semantics<arbitrary>], iteration_bounds = array<i64: 10>, scalar_prefetch = 0 : i64, scratch_operands = 0 : i64, tpu.core_type = #tpu.core_type<tc>, window_params = [{transform_indices = @transform_0, window_bounds = array<i64: 1000, 128>}, {pipeline_mode = #tpu.pipeline_mode<synchronous>, transform_indices = @transform_1, window_bounds = array<i64: 128, 128>}, {transform_indices = @transform_2, window_bounds = array<i64: 2, 1000, 16>}, {transform_indices = @transform_3, window_bounds = array<i64: 1000, 128>}]} {
    %get3A = arith.constant 0 : index
    %get3A_0 = arith.constant 0 : index
    %get3A_1 = arith.constant 0 : index
    %get3A_2 = vector.load %arg3[%get3A, %get3A_0, %get3A_1] : memref<2x1000x16xf32, #tpu.memory_space<vmem>>, vector<1x1000x1xf32>
    %get3A_3 = vector.shape_cast %get3A_2 : vector<1x1000x1xf32> to vector<1000x1xf32>
    %get3A_4 = arith.constant 1 : index
    %get3A_5 = arith.constant 0 : index
    %get3A_6 = arith.constant 0 : index
    %get3A_7 = vector.load %arg3[%get3A_4, %get3A_5, %get3A_6] : memref<2x1000x16xf32, #tpu.memory_space<vmem>>, vector<1x1000x1xf32>
    %get3A_8 = vector.shape_cast %get3A_7 : vector<1x1000x1xf32> to vector<1000x1xf32>
    %add3A = arith.addf %get3A_3, %get3A_8 : vector<1000x1xf32>
    %add3A_9 = arith.constant 1.000000e+00 : f32
    %add3A_10 = vector.broadcast %add3A_9 : f32 to vector<1000x1xf32>
    %add3A_11 = arith.addf %add3A, %add3A_10 : vector<1000x1xf32>
    %rsqrt3A = math.rsqrt %add3A_11 : vector<1000x1xf32>
    %get3A_12 = arith.constant 0 : index
    %get3A_13 = arith.constant 0 : index
    %get3A_14 = vector.load %arg1[%get3A_12, %get3A_13] : memref<1000x128xf32, #tpu.memory_space<vmem>>, vector<1000x128xf32>
    %get3A_15 = arith.constant 0 : index
    %get3A_16 = arith.constant 0 : index
    %get3A_17 = vector.load %arg2[%get3A_15, %get3A_16] : memref<128x128xf32, #tpu.memory_space<vmem>>, vector<128x128xf32>
    %dot_general3A = arith.constant dense<0.000000e+00> : vector<1000x128xf32>
    %dot_general3A_18 = tpu.matmul %get3A_14, %get3A_17, %dot_general3A {dimension_numbers = #tpu.dot_dimension_numbers<[1], [0], [0], [1], [0, 0, 1, 1], [], []>, transpose_lhs_hint = false} : vector<1000x128xf32>, vector<128x128xf32>, vector<1000x128xf32> -> vector<1000x128xf32>
    %mul3A = vector.broadcast %rsqrt3A : vector<1000x1xf32> to vector<1000x128xf32>
    %mul3A_19 = arith.mulf %mul3A, %dot_general3A_18 : vector<1000x128xf32>
    %swap3A = arith.constant 0 : index
    %swap3A_20 = arith.constant 0 : index
    %swap3A_21 = vector.load %arg4[%swap3A, %swap3A_20] : memref<1000x128xf32, #tpu.memory_space<vmem>>, vector<1000x128xf32>
    tpu.vector_store %arg4[%swap3A, %swap3A_20], %mul3A_19 {strides = array<i32>} : memref<1000x128xf32, #tpu.memory_space<vmem>>, vector<1000x128xf32>,
    return
  }
  func.func @transform_0(%arg0: i32) -> (i32, i32) {
    %c0_i32 = arith.constant 0 : i32
    %c0_i32_0 = arith.constant 0 : i32
    return %arg0, %c0_i32 : i32, i32
  }
  func.func @transform_1(%arg0: i32) -> (i32, i32) {
    %c0_i32 = arith.constant 0 : i32
    %c0_i32_0 = arith.constant 0 : i32
    %c0_i32_1 = arith.constant 0 : i32
    return %c0_i32, %c0_i32_0 : i32, i32
  }
  func.func @transform_2(%arg0: i32) -> (i32, i32, i32) {
    %c0_i32 = arith.constant 0 : i32
    %c0_i32_0 = arith.constant 0 : i32
    %c0_i32_1 = arith.constant 0 : i32
    return %c0_i32, %arg0, %c0_i32_0 : i32, i32, i32
  }
  func.func @transform_3(%arg0: i32) -> (i32, i32) {
    %c0_i32 = arith.constant 0 : i32
    %c0_i32_0 = arith.constant 0 : i32
    return %arg0, %c0_i32 : i32, i32
  }
}

module attributes {stable_mosaic.version = 14 : i64} {
  func.func @body(%arg0: i32, %arg1: memref<2x1000x128xf32, #tpu.memory_space<vmem>>, %arg2: memref<1000x128xf32, #tpu.memory_space<vmem>>, %arg3: memref<2x1000x16xf32, #tpu.memory_space<vmem>>, %arg4: memref<1x128xf32, #tpu.memory_space<vmem>>, %arg5: memref<128x128xf32, #tpu.memory_space<vmem>>, %arg6: memref<1000x128xf32, #tpu.memory_space<vmem>>) attributes {dimension_semantics = [#tpu.dimension_semantics<arbitrary>], iteration_bounds = array<i64: 10>, scalar_prefetch = 0 : i64, scratch_operands = 0 : i64, tpu.core_type = #tpu.core_type<tc>, window_params = [{transform_indices = @transform_0, window_bounds = array<i64: 2, 1000, 128>}, {transform_indices = @transform_1, window_bounds = array<i64: 1000, 128>}, {transform_indices = @transform_2, window_bounds = array<i64: 2, 1000, 16>}, {pipeline_mode = #tpu.pipeline_mode<synchronous>, transform_indices = @transform_3, window_bounds = array<i64: 1, 128>}, {pipeline_mode = #tpu.pipeline_mode<synchronous>, transform_indices = @transform_4, window_bounds = array<i64: 128, 128>}, {transform_indices = @transform_5, window_bounds = array<i64: 1000, 128>}]} {
    %get3A = arith.constant 0 : index
    %get3A_0 = arith.constant 0 : index
    %get3A_1 = arith.constant 0 : index
    %get3A_2 = vector.load %arg3[%get3A, %get3A_0, %get3A_1] : memref<2x1000x16xf32, #tpu.memory_space<vmem>>, vector<1x1000x1xf32>
    %get3A_3 = vector.shape_cast %get3A_2 : vector<1x1000x1xf32> to vector<1000x1xf32>
    %get3A_4 = arith.constant 1 : index
    %get3A_5 = arith.constant 0 : index
    %get3A_6 = arith.constant 0 : index
    %get3A_7 = vector.load %arg3[%get3A_4, %get3A_5, %get3A_6] : memref<2x1000x16xf32, #tpu.memory_space<vmem>>, vector<1x1000x1xf32>
    %get3A_8 = vector.shape_cast %get3A_7 : vector<1x1000x1xf32> to vector<1000x1xf32>
    %add3A = arith.addf %get3A_3, %get3A_8 : vector<1000x1xf32>
    %add3A_9 = arith.constant 1.000000e+00 : f32
    %add3A_10 = vector.broadcast %add3A_9 : f32 to vector<1000x1xf32>
    %add3A_11 = arith.addf %add3A, %add3A_10 : vector<1000x1xf32>
    %rsqrt3A = math.rsqrt %add3A_11 : vector<1000x1xf32>
    %get3A_12 = arith.constant 0 : index
    %get3A_13 = arith.constant 0 : index
    %get3A_14 = arith.constant 0 : index
    %get3A_15 = vector.load %arg1[%get3A_12, %get3A_13, %get3A_14] : memref<2x1000x128xf32, #tpu.memory_space<vmem>>, vector<1x1000x128xf32>
    %get3A_16 = vector.shape_cast %get3A_15 : vector<1x1000x128xf32> to vector<1000x128xf32>
    %get3A_17 = arith.constant 1 : index
    %get3A_18 = arith.constant 0 : index
    %get3A_19 = arith.constant 0 : index
    %get3A_20 = vector.load %arg1[%get3A_17, %get3A_18, %get3A_19] : memref<2x1000x128xf32, #tpu.memory_space<vmem>>, vector<1x1000x128xf32>
    %get3A_21 = vector.shape_cast %get3A_20 : vector<1x1000x128xf32> to vector<1000x128xf32>
    %add3A_22 = arith.addf %get3A_16, %get3A_21 : vector<1000x128xf32>
    %get3A_23 = arith.constant 0 : index
    %get3A_24 = arith.constant 0 : index
    %get3A_25 = vector.load %arg2[%get3A_23, %get3A_24] : memref<1000x128xf32, #tpu.memory_space<vmem>>, vector<1000x128xf32>
    %add3A_26 = arith.addf %add3A_22, %get3A_25 : vector<1000x128xf32>
    %mul3A = vector.broadcast %rsqrt3A : vector<1000x1xf32> to vector<1000x128xf32>
    %mul3A_27 = arith.mulf %mul3A, %add3A_26 : vector<1000x128xf32>
    %get3A_28 = arith.constant 0 : index
    %get3A_29 = arith.constant 0 : index
    %get3A_30 = vector.load %arg4[%get3A_28, %get3A_29] : memref<1x128xf32, #tpu.memory_space<vmem>>, vector<1x128xf32>
    %add3A_31 = vector.broadcast %get3A_30 : vector<1x128xf32> to vector<1000x128xf32>
    %add3A_32 = arith.addf %mul3A_27, %add3A_31 : vector<1000x128xf32>
    %max3A = arith.constant 0.000000e+00 : f32
    %max3A_33 = vector.broadcast %max3A : f32 to vector<1000x128xf32>
    %max3A_34 = arith.maximumf %add3A_32, %max3A_33 : vector<1000x128xf32>
    %get3A_35 = arith.constant 0 : index
    %get3A_36 = arith.constant 0 : index
    %get3A_37 = vector.load %arg5[%get3A_35, %get3A_36] : memref<128x128xf32, #tpu.memory_space<vmem>>, vector<128x128xf32>
    %dot_general3A = arith.constant dense<0.000000e+00> : vector<1000x128xf32>
    %dot_general3A_38 = tpu.matmul %max3A_34, %get3A_37, %dot_general3A {dimension_numbers = #tpu.dot_dimension_numbers<[1], [0], [0], [1], [0, 0, 1, 1], [], []>, transpose_lhs_hint = false} : vector<1000x128xf32>, vector<128x128xf32>, vector<1000x128xf32> -> vector<1000x128xf32>
    %mul3A_39 = vector.broadcast %rsqrt3A : vector<1000x1xf32> to vector<1000x128xf32>
    %mul3A_40 = arith.mulf %mul3A_39, %dot_general3A_38 : vector<1000x128xf32>
    %swap3A = arith.constant 0 : index
    %swap3A_41 = arith.constant 0 : index
    %swap3A_42 = vector.load %arg6[%swap3A, %swap3A_41] : memref<1000x128xf32, #tpu.memory_space<vmem>>, vector<1000x128xf32>
    tpu.vector_store %arg6[%swap3A, %swap3A_41], %mul3A_40 {strides = array<i32>} : memref<1000x128xf32, #tpu.memory_space<vmem>>, vector<1000x128xf32>,
    return
  }
  func.func @transform_0(%arg0: i32) -> (i32, i32, i32) {
    %c0_i32 = arith.constant 0 : i32
    %c0_i32_0 = arith.constant 0 : i32
    %c0_i32_1 = arith.constant 0 : i32
    return %c0_i32, %arg0, %c0_i32_0 : i32, i32, i32
  }
  func.func @transform_1(%arg0: i32) -> (i32, i32) {
    %c0_i32 = arith.constant 0 : i32
    %c0_i32_0 = arith.constant 0 : i32
    return %arg0, %c0_i32 : i32, i32
  }
  func.func @transform_2(%arg0: i32) -> (i32, i32, i32) {
    %c0_i32 = arith.constant 0 : i32
    %c0_i32_0 = arith.constant 0 : i32
    %c0_i32_1 = arith.constant 0 : i32
    return %c0_i32, %arg0, %c0_i32_0 : i32, i32, i32
  }
  func.func @transform_3(%arg0: i32) -> (i32, i32) {
    %c0_i32 = arith.constant 0 : i32
    %c0_i32_0 = arith.constant 0 : i32
    %c0_i32_1 = arith.constant 0 : i32
    return %c0_i32, %c0_i32_0 : i32, i32
  }
  func.func @transform_4(%arg0: i32) -> (i32, i32) {
    %c0_i32 = arith.constant 0 : i32
    %c0_i32_0 = arith.constant 0 : i32
    %c0_i32_1 = arith.constant 0 : i32
    return %c0_i32, %c0_i32_0 : i32, i32
  }
  func.func @transform_5(%arg0: i32) -> (i32, i32) {
    %c0_i32 = arith.constant 0 : i32
    %c0_i32_0 = arith.constant 0 : i32
    return %arg0, %c0_i32 : i32, i32
  }
}

module attributes {stable_mosaic.version = 14 : i64} {
  func.func @body(%arg0: i32, %arg1: memref<2x1000x128xf32, #tpu.memory_space<vmem>>, %arg2: memref<1000x128xf32, #tpu.memory_space<vmem>>, %arg3: memref<2x1000x16xf32, #tpu.memory_space<vmem>>, %arg4: memref<1x128xf32, #tpu.memory_space<vmem>>, %arg5: memref<1000x128xf32, #tpu.memory_space<vmem>>) attributes {dimension_semantics = [#tpu.dimension_semantics<arbitrary>], iteration_bounds = array<i64: 10>, scalar_prefetch = 0 : i64, scratch_operands = 0 : i64, tpu.core_type = #tpu.core_type<tc>, window_params = [{transform_indices = @transform_0, window_bounds = array<i64: 2, 1000, 128>}, {transform_indices = @transform_1, window_bounds = array<i64: 1000, 128>}, {transform_indices = @transform_2, window_bounds = array<i64: 2, 1000, 16>}, {pipeline_mode = #tpu.pipeline_mode<synchronous>, transform_indices = @transform_3, window_bounds = array<i64: 1, 128>}, {transform_indices = @transform_4, window_bounds = array<i64: 1000, 128>}]} {
    %get3A = arith.constant 0 : index
    %get3A_0 = arith.constant 0 : index
    %get3A_1 = arith.constant 0 : index
    %get3A_2 = vector.load %arg3[%get3A, %get3A_0, %get3A_1] : memref<2x1000x16xf32, #tpu.memory_space<vmem>>, vector<1x1000x1xf32>
    %get3A_3 = vector.shape_cast %get3A_2 : vector<1x1000x1xf32> to vector<1000x1xf32>
    %get3A_4 = arith.constant 1 : index
    %get3A_5 = arith.constant 0 : index
    %get3A_6 = arith.constant 0 : index
    %get3A_7 = vector.load %arg3[%get3A_4, %get3A_5, %get3A_6] : memref<2x1000x16xf32, #tpu.memory_space<vmem>>, vector<1x1000x1xf32>
    %get3A_8 = vector.shape_cast %get3A_7 : vector<1x1000x1xf32> to vector<1000x1xf32>
    %add3A = arith.addf %get3A_3, %get3A_8 : vector<1000x1xf32>
    %add3A_9 = arith.constant 1.000000e+00 : f32
    %add3A_10 = vector.broadcast %add3A_9 : f32 to vector<1000x1xf32>
    %add3A_11 = arith.addf %add3A, %add3A_10 : vector<1000x1xf32>
    %rsqrt3A = math.rsqrt %add3A_11 : vector<1000x1xf32>
    %get3A_12 = arith.constant 0 : index
    %get3A_13 = arith.constant 0 : index
    %get3A_14 = arith.constant 0 : index
    %get3A_15 = vector.load %arg1[%get3A_12, %get3A_13, %get3A_14] : memref<2x1000x128xf32, #tpu.memory_space<vmem>>, vector<1x1000x128xf32>
    %get3A_16 = vector.shape_cast %get3A_15 : vector<1x1000x128xf32> to vector<1000x128xf32>
    %get3A_17 = arith.constant 1 : index
    %get3A_18 = arith.constant 0 : index
    %get3A_19 = arith.constant 0 : index
    %get3A_20 = vector.load %arg1[%get3A_17, %get3A_18, %get3A_19] : memref<2x1000x128xf32, #tpu.memory_space<vmem>>, vector<1x1000x128xf32>
    %get3A_21 = vector.shape_cast %get3A_20 : vector<1x1000x128xf32> to vector<1000x128xf32>
    %add3A_22 = arith.addf %get3A_16, %get3A_21 : vector<1000x128xf32>
    %get3A_23 = arith.constant 0 : index
    %get3A_24 = arith.constant 0 : index
    %get3A_25 = vector.load %arg2[%get3A_23, %get3A_24] : memref<1000x128xf32, #tpu.memory_space<vmem>>, vector<1000x128xf32>
    %add3A_26 = arith.addf %add3A_22, %get3A_25 : vector<1000x128xf32>
    %mul3A = vector.broadcast %rsqrt3A : vector<1000x1xf32> to vector<1000x128xf32>
    %mul3A_27 = arith.mulf %mul3A, %add3A_26 : vector<1000x128xf32>
    %get3A_28 = arith.constant 0 : index
    %get3A_29 = arith.constant 0 : index
    %get3A_30 = vector.load %arg4[%get3A_28, %get3A_29] : memref<1x128xf32, #tpu.memory_space<vmem>>, vector<1x128xf32>
    %add3A_31 = vector.broadcast %get3A_30 : vector<1x128xf32> to vector<1000x128xf32>
    %add3A_32 = arith.addf %mul3A_27, %add3A_31 : vector<1000x128xf32>
    %swap3A = arith.constant 0 : index
    %swap3A_33 = arith.constant 0 : index
    %swap3A_34 = vector.load %arg5[%swap3A, %swap3A_33] : memref<1000x128xf32, #tpu.memory_space<vmem>>, vector<1000x128xf32>
    tpu.vector_store %arg5[%swap3A, %swap3A_33], %add3A_32 {strides = array<i32>} : memref<1000x128xf32, #tpu.memory_space<vmem>>, vector<1000x128xf32>,
    return
  }
  func.func @transform_0(%arg0: i32) -> (i32, i32, i32) {
    %c0_i32 = arith.constant 0 : i32
    %c0_i32_0 = arith.constant 0 : i32
    %c0_i32_1 = arith.constant 0 : i32
    return %c0_i32, %arg0, %c0_i32_0 : i32, i32, i32
  }
  func.func @transform_1(%arg0: i32) -> (i32, i32) {
    %c0_i32 = arith.constant 0 : i32
    %c0_i32_0 = arith.constant 0 : i32
    return %arg0, %c0_i32 : i32, i32
  }
  func.func @transform_2(%arg0: i32) -> (i32, i32, i32) {
    %c0_i32 = arith.constant 0 : i32
    %c0_i32_0 = arith.constant 0 : i32
    %c0_i32_1 = arith.constant 0 : i32
    return %c0_i32, %arg0, %c0_i32_0 : i32, i32, i32
  }
  func.func @transform_3(%arg0: i32) -> (i32, i32) {
    %c0_i32 = arith.constant 0 : i32
    %c0_i32_0 = arith.constant 0 : i32
    %c0_i32_1 = arith.constant 0 : i32
    return %c0_i32, %c0_i32_0 : i32, i32
  }
  func.func @transform_4(%arg0: i32) -> (i32, i32) {
    %c0_i32 = arith.constant 0 : i32
    %c0_i32_0 = arith.constant 0 : i32
    return %arg0, %c0_i32 : i32, i32
  }
}

</mosaic_0001>

<sc_bundles>
// kernel: kernel.11.cloned.1.call-start
scs
__scs_entry_jumppad:
0x0: {  	(pc) =	sbr.rel $0x88, $3  }
0x1: {  	(tag) =	ssettag $0x0;
	lr =	simm.s32 $0x1  }
0x2: {  	[smem:$0x3F9B] =	sst lr;
	_ =	strace $0xD0000000  }
0x3: {  	_ = 	snop  }
0x4: {  	_ = 	snop  }
0x5: {  	_ = 	snop  }
0x6: {  	_ = 	snop  }
0x7: {  	_ = 	snop  }
__scs_overlays_trampoline_lowered:
0x8: {  	[smem:$0x3FAA] =	sst s0  }
0x9: {  	[smem:$0x3FAB] =	sst s1  }
0xa: {  	[smem:$0x3FAC] =	sst s2  }
0xb: {  	[smem:$0x3FAD] =	sst s3  }
0xc: {  	[smem:$0x3FAE] =	sst s4  }
0xd: {  	[smem:$0x3FAF] =	sst s5  }
0xe: {  	[smem:$0x3FB0] =	sst s6  }
0xf: {  	[smem:$0x3FB1] =	sst s7  }
0x10: {  	[smem:$0x3FB2] =	sst s8  }
0x11: {  	[smem:$0x3FB3] =	sst s9;
	s0 =	simm.s32 @!p0 $0x0  }
0x12: {  	s1 =	sld [smem:$0x3F99];
	s0 =	simm.s32 @p0 $0x1  }
0x13: {  	[smem:$0x3FB4] =	sst s0;
	s0 =	simm.s32 @!p1 $0x0  }
0x14: {  	s2 =	sld [smem:$0x3F98];
	s0 =	simm.s32 @p1 $0x1  }
0x15: {  	[smem:$0x3FB5] =	sst s0;
	s0 =	simm.s32 @!p2 $0x0  }
0x16: {  	s3 =	sld [smem:$0x3FDB];
	s0 =	simm.s32 @p2 $0x1  }
0x17: {  	s4 =	simm.s32 $0x1BF5;
	[smem:$0x3FB7] =	sst s0  }
0x18: {  	s0 =	sld [smem:$0x3F9A];
	_ =	swait.ge [sflag:s4], $0x0  }
0x19: {  	s7 =	sld [smem:$0x3F9B]  }
0x1a: {  	s8 =	sadd.s32 $0xFFFFE003, lr  }
0x1b: {  	s9 =	sadd.s32 $0xFFFFFEF7, lr;
	s5 =	simm.s32 $0xFFFFFFFF;
	p2 =	slt.u32 s8, $0xFFFFF086  }
0x1c: {  	p1 =	slt.u32 s9, $0xF7A;
	s5 =	simm.s32 @!p2 $0x0  }
0x1d: {  	s5 =	simm.s32 @p1 $0x1;
	p0 =	seq.s32 s7, s2  }
0x1e: {  	s7 =	smul.u32 @!p0 $0xF7A, s2;
	p2 =	seq.s32 @!p0 s5, $0x0  }
0x1f: {  	s9 =	smul.u32 $0xF7A, s1;
	s8 =	simm.s32 @!p0 $0x1BF5;
	p2 =	por !p2, p0  }
0x20: {  	[sflag:s8] =	ssyncset.s32 @!p0 $0xFFFFF086;
	s6 =	sadd.s32 @!p0 s3, s7;
	s7 =	simm.s32 @!p0 $0x108  }
0x21: {  	s3 =	sadd.s32 s3, s9;
	s6 =	sadd.s32 @!p0 $0x88, s6;
	s7 =	simm.s32 @p2 $0x1082  }
0x22: {  	[simem:s7], [sflag:s8] =	dma.local @!p0 [hbm:s6], $0xF7A  }
0x23: {  	s9 =	sor.u32 $0xD0000000, s2;
	s6 =	simm.s32 $0x108;
	_ =	swait.ge @!p0 [sflag:s8], $0x0  }
0x24: {  	s3 =	sadd.s32 $0x88, s3;
	s6 =	simm.s32 @!p1 $0x1082;
	[sflag:s4] =	ssyncset.s32 $0xFFFFF086  }
0x25: {  	[simem:s6], [sflag:s4] =	dma.local [hbm:s3], $0xF7A  }
0x26: {  	[smem:$0x3F9B] =	sst s1;
	(tag) =	ssettag s2;
	_ =	strace s9  }
0x27: {  	s1 =	sld [smem:$0x3FAB]  }
0x28: {  	s2 =	sld [smem:$0x3FAC]  }
0x29: {  	s4 =	sld [smem:$0x3FAE]  }
0x2a: {  	p0 =	seq.s32 s5, $0x0;
	s5 =	sld [smem:$0x3FAF]  }
0x2b: {  	s6 =	sld [smem:$0x3FB0]  }
0x2c: {  	s7 =	sld [smem:$0x3FB1]  }
0x2d: {  	s3 =	simm.s32 $0x108;
	s8 =	sld [smem:$0x3FB2]  }
0x2e: {  	s3 =	simm.s32 @!p0 $0x1082;
	s9 =	sld [smem:$0x3FB3]  }
0x2f: {  	lr =	sadd.s32 s0, s3;
	s0 =	sld [smem:$0x3FAA]  }
0x30: {  	s3 =	sld [smem:$0x3FAD]  }
0x31: {  	[smem:$0x3FB6] =	sst s10  }
0x32: {  	s10 =	sld [smem:$0x3FB4];
	_ =	sdelay $0x3  }
0x33: {  	p0 =	seq.s32 s10, $0x1;
	s10 =	sld [smem:$0x3FB6];
	_ =	sdelay $0x3  }
0x34: {  	[smem:$0x3FB6] =	sst s10  }
0x35: {  	s10 =	sld [smem:$0x3FB5];
	_ =	sdelay $0x3  }
0x36: {  	p1 =	seq.s32 s10, $0x1;
	s10 =	sld [smem:$0x3FB6];
	_ =	sdelay $0x3  }
0x37: {  	[smem:$0x3FB6] =	sst s10  }
0x38: {  	s10 =	sld [smem:$0x3FB7]  }
0x39: {  	_ = 	snop;
	(pc) =	sbr.ind lr, $3  }
0x3a: {  	_ = 	snop  }
0x3b: {  	_ = 	snop  }
0x3c: {  	p2 =	seq.s32 s10, $0x1;
	s10 =	sld [smem:$0x3FB6]  }
0x3d: {  	_ =	shalt  }
0x3e: {  	_ =	shalt  }
0x3f: {  	_ =	shalt  }
0x40: {  	_ =	shalt  }
0x41: {  	_ =	shalt  }
0x42: {  	_ =	shalt  }
0x43: {  	_ =	shalt  }
0x44: {  	_ =	shalt  }
0x45: {  	_ =	shalt  }
0x46: {  	_ =	shalt  }
0x47: {  	_ =	shalt  }
0x48: {  	_ =	shalt  }
0x49: {  	_ =	shalt  }
0x4a: {  	_ =	shalt  }
0x4b: {  	_ =	shalt  }
0x4c: {  	_ =	shalt  }
0x4d: {  	_ =	shalt  }
0x4e: {  	_ =	shalt  }
0x4f: {  	_ =	shalt  }
0x50: {  	_ =	shalt  }
0x51: {  	_ =	shalt  }
0x52: {  	_ =	shalt  }
0x53: {  	_ =	shalt  }
0x54: {  	_ =	shalt  }
0x55: {  	_ =	shalt  }
0x56: {  	_ =	shalt  }
0x57: {  	_ =	shalt  }
0x58: {  	_ =	shalt  }
0x59: {  	_ =	shalt  }
0x5a: {  	_ =	shalt  }
0x5b: {  	_ =	shalt  }
0x5c: {  	_ =	shalt  }
0x5d: {  	_ =	shalt  }
0x5e: {  	_ =	shalt  }
0x5f: {  	_ =	shalt  }
0x60: {  	_ =	shalt  }
0x61: {  	_ =	shalt  }
0x62: {  	_ =	shalt  }
0x63: {  	_ =	shalt  }
0x64: {  	_ =	shalt  }
0x65: {  	_ =	shalt  }
0x66: {  	_ =	shalt  }
0x67: {  	_ =	shalt  }
0x68: {  	_ =	shalt  }
0x69: {  	_ =	shalt  }
0x6a: {  	_ =	shalt  }
0x6b: {  	_ =	shalt  }
0x6c: {  	_ =	shalt  }
0x6d: {  	_ =	shalt  }
0x6e: {  	_ =	shalt  }
0x6f: {  	_ =	shalt  }
0x70: {  	_ =	shalt  }
0x71: {  	_ =	shalt  }
0x72: {  	_ =	shalt  }
0x73: {  	_ =	shalt  }
0x74: {  	_ =	shalt  }
0x75: {  	_ =	shalt  }
0x76: {  	_ =	shalt  }
0x77: {  	_ =	shalt  }
0x78: {  	_ =	shalt  }
0x79: {  	_ =	shalt  }
0x7a: {  	_ =	shalt  }
0x7b: {  	_ =	shalt  }
0x7c: {  	_ =	shalt  }
0x7d: {  	_ =	shalt  }
0x7e: {  	_ =	shalt  }
0x7f: {  	_ =	shalt  }
0x80: {  	_ =	shalt  }
0x81: {  	_ =	shalt  }
0x82: {  	_ =	shalt  }
0x83: {  	_ =	shalt  }
0x84: {  	_ =	shalt  }
0x85: {  	_ =	shalt  }
0x86: {  	_ =	shalt  }
0x87: {  	_ =	shalt  }
.Lfunc_end0:
.L_simem_size_0:
called_computation.1_lowered:
.L_overlay_start_0:
0x88: {  	s2 =	sld [smem:$0x3FD9]  }
0x89: {  	s3 =	sld [smem:$0x3FFE];
	_ =	sdelay $0x1  }
0x8a: {  	s1 =	srdreg.scid  }
0x8b: {  	s0 =	sand.u32 $0x1, s1  }
0x8c: {  	s17 =	sshll.u32 s0, $0xA;
	s2 =	sadd.s32 s3, s2  }
0x8d: {  	s2 =	sadd.s32 s2, s17  }
0x8e: {  	[smem:$0x3FC2] =	sst s2  }
0x8f: {  	_ = 	snop  }
0x90: {  	s2 =	sld [smem:$0x3FD0];
	(tm) =	ssettm $0x1  }
0x91: {  	s18 =	sld [smem:$0x3FFB];
	_ =	sdelay $0x3  }
0x92: {  	_ =	strace s18  }
0x93: {  	s3 =	sld [smem:$0x3FFC];
	_ =	sdelay $0x3  }
0x94: {  	_ =	strace s3  }
0x95: {  	s3 =	sld [smem:$0x3FFD];
	_ =	sdelay $0x3  }
0x96: {  	_ =	strace s3  }
0x97: {  	_ =	strace $0x8FFFFFFF  }
0x98: {  	s19 =	sld [smem:$0x3FDB];
	_ =	sdelay $0x1  }
0x99: {  	s4 =	simm.s32 $_scs_section_size  }
0x9a: {  	s5 =	simm.s32 $_size__tile_overlayer_lowered;
	s6 =	simm.s32 $_tile_overlayer_lowered  }
0x9b: {  	s22 =	simm.s32 $0x1BFF;
	s21 =	sshll.u32 s6, $0x1;
	s3 =	sadd.s32 s4, s19  }
0x9c: {  	s7 =	simm.s32 $0x0;
	s20 =	sshll.u32 s5, $0x1;
	s5 =	sadd.s32 s21, s3  }
0x9d: {  	[timem:s7], [sflag:s22] =	dma.local [hbm:s5], s20  }
0x9e: {  	_ =	swait.ge [sflag:s22], s20  }
0x9f: {  	s4 =	ssub.s32 $0x0, s20;
	[sflag:s22] =	ssyncset.done $0x0  }
0xa0: {  	[sflag:s22] =	ssyncadd.s32 s4;
	_ =	sdelay $0x1  }
0xa1: {  	s23 =	simm.s32 $0x1B8B  }
0xa2: {  	_ =	swait.ge [sflag:s23], $0x1  }
0xa3: {  	[sflag:s23] =	ssyncset.done $0x0  }
0xa4: {  	s25 =	simm.s32 $0x1B8E;
	s24 =	sld [smem:$0x3FFE];
	[sflag:s23] =	ssyncadd.s32 $0xFFFFFFFF  }
0xa5: {  	s26 =	simm.s32 $execute0_lowered;
	[smem:$0x3FD2] =	sst s25  }
0xa6: {  	s5 =	sshll.u32 s26, $0x1;
	_ =	strace $0x80000049;
	[dreg:$0x1] =	wrdreg $0xFFFFFFFF  }
0xa7: {  	s28 =	simm.s32 $_size_execute0_lowered;
	s3 =	sadd.s32 s3, s5;
	[dreg:$0x0] =	wrdreg $0x0  }
0xa8: {  	s5 =	sshll.u32 s28, $0x1;
	[dreg:$0x2] =	wrdreg s3  }
0xa9: {  	[dreg:$0x3] =	wrdreg s5  }
0xaa: {  	[dreg:$0x4] =	wrdreg $0xC0  }
0xab: {  	_ =	task [dreg:s7], $0x5FFFF  }
0xac: {  	[dreg:$0x1] =	wrdreg $0xFFFFFFFF  }
0xad: {  	[dreg:$0x0] =	wrdreg $0x60  }
0xae: {  	[dreg:$0x2] =	wrdreg s2  }
0xaf: {  	[dreg:$0x3] =	wrdreg s24  }
0xb0: {  	[dreg:$0x4] =	wrdreg $0x41000  }
0xb1: {  	[dreg:$0x5] =	wrdreg $0x9  }
0xb2: {  	_ =	task.clear_ibuf [dreg:s7], $0x6FFFF;
	_ =	strace $0x90000049  }
0xb3: {  	s29 =	simm.s32 $0x9;
	_ =	strace $0x8000004B  }
0xb4: {  	_ =	swait.ge [sflag:s29], $0x1  }
0xb5: {  	[sflag:s29] =	ssyncadd.s32 $0xFFFFFFFF  }
0xb6: {  	_ =	strace $0x9000004B  }
0xb7: {  	_ =	sfence  }
0xb8: {  	s30 =	sld [smem:$0x0];
	_ =	sdelay $0x2  }
0xb9: {  	s31 =	sshll.u32 s1, $0xD;
	s1 =	sshrl.u32 s1, $0x2  }
0xba: {  	s3 =	sand.u32 $0x4000, s31;
	s1 =	sadd.s32 s1, s30  }
0xbb: {  	s0 =	sor.u32 s3, s0;
	s1 =	sshll.u32 s1, $0x11  }
0xbc: {  	s0 =	sor.u32 s1, s0  }
0xbd: {  	s0 =	sadd.s32 $0x8F2B, s0  }
0xbe: {  	[sflag:s0] =	ssyncadd.remote.s32 $0x1  }
0xbf: {  	_ =	sfence.sel $0xFFFF  }
0xc0: {  	[dreg:$0x0] =	wrdreg $0xFFFFFFFF;
	(pc) =	sbr.abs _section_cstart, $3  }
0xc1: {  	[dreg:$0x1] =	wrdreg $0xFFFFFFFF  }
0xc2: {  	_ =	task.clear_ibuf [dreg:s7], $0x2FFFF;
	_ =	strace $0x9FFFFFFF  }
0xc3: {  	(tm) =	ssettm $0x7FFFFFFF  }
tec
execute0_lowered:
.L_overlay_start_1:
0x0: {  	(tag) =	ssettag $0x1  }
0x1: {  	s2 =	rddreg [dreg:$0x0]  }
0x2: {  	s5 =	rddreg [dreg:$0x1]  }
0x3: {  	s3 =	rddreg [dreg:$0x2]  }
0x4: {  	s0 =	rddreg [dreg:$0x3]  }
0x5: {  	s1 =	stileid.u32;
	s7 =	srdreg.scid;
	s4 =	simm.s32 $0x0  }
0x6: {  	s13 =	simm.s32 $0x80;
	s14 =	simm.s32 $0x100;
	s6 =	smul.u32 $0xA00, s1  }
0x7: {  	s15 =	simm.s32 $0x1;
	s16 =	simm.s32 $0x0;
	s8 =	smul.u32 $0x13C00, s1  }
0x8: {  	s7 =	sand.u32 $0x1, s7;
	[smem:$0x7FF] =	sst s4;
	s11 =	smul.u32 $0x4F000, s1  }
0x9: {  	s31 =	sshll.u32 s1, $0x6;
	s9 =	smul.u32 $0x13C000, s7;
	_ =	strace $0x8000004A  }
0xa: {  	s26 =	ssub.s32 $0x2, s7;
	s30 =	smul.u32 $0x500, s7;
	s10 =	sadd.s32 s6, s5  }
0xb: {  	s25 =	sshrl.u32 s8, $0x3;
	s28 =	sshrl.u32 s26, $0x1;
	s29 =	sshrl.u32 s11, $0x2  }
0xc: {  	s8 =	sadd.s32 s8, s9;
	s6 =	sadd.s32 s25, s5;
	s9 =	ssub.s32 s26, s28  }
0xd: {  	s12 =	sadd.s32 s29, s3;
	s10 =	sadd.s32 s30, s10;
	s8 =	sshrl.u32 s8, $0x3  }
0xe: {  	s11 =	sshrl.u32 s12, $0x3;
	s12 =	simm.s32 $0x2;
	s8 =	sadd.s32 s8, s5  }
0xf: {  	s5 =	sadd.s32 $0x64600, s6;
	s6 =	sor.u32 $0x1C02, s31;
	s7 =	sadd.s32 $0x8BE00, s8  }
0x10: {  	s8 =	smax.u32 s9, $0x1;
	s9 =	sadd.s32 $0xC200, s10;
	s10 =	sadd.s32 $0x2000, s10  }
.LBB2_1:
0x11: {  	[spmem:s11], [sflag:s6] =	dma.local [hbm:s5], $0x2780  }
0x12: {  	_ =	swait.ge [sflag:s12], $0x2780  }
0x13: {  	[sflag:s12] =	ssyncset.done $0x0  }
0x14: {  	[sflag:s12] =	ssyncadd.s32 $0xFFFFD880  }
0x15: {  	s17 =	sadd.s32 $0x0, s10;
	[bflag:$0x0] =	sbarrier.arrive $0xFFFF  }
0x16: {  	[tilespmem:s4], [sflag:$0x2] =	stream.linear.gather [hbm4b:s17+s4], $0x80, $0x38;
	[tilespmem:$0x17D00] =	vst v63  }
0x17: {  	_ =	swait.ge [sflag:s12], $0x80  }
0x18: {  	[sflag:s12] =	ssyncset.done $0x0  }
0x19: {  	s31 =	sadd.s32 $0x0, s9;
	[sflag:s12] =	ssyncadd.s32 $0xFFFFFF80  }
0x1a: {  	[tilespmem:s13], [sflag:$0x2] =	stream.linear.gather [hbm4b:s31+s4], $0x80, $0x38;
	[tilespmem:$0x17D00] =	vst v63  }
0x1b: {  	_ =	swait.ge [sflag:s12], $0x80  }
0x1c: {  	[sflag:s12] =	ssyncset.done $0x0  }
0x1d: {  	[sflag:s12] =	ssyncadd.s32 $0xFFFFFF80  }
0x1e: {  	[tilespmem:s14], [sflag:$0x1] =	stream.indirect.gather [hbm4b:s2+s13], $0x80, s4, s13, $0xb8;
	[tilespmem:$0x17D00] =	vst v63  }
0x1f: {  	_ =	swait.ge [sflag:s15], $0x4000  }
0x20: {  	[sflag:s15] =	ssyncset.done $0x0  }
0x21: {  	[sflag:s15] =	ssyncadd.s32 $0xFFFFC000  }
0x22: {  	[spmem:s3] =	stream.indirect.scatter.add.f32 [tilespmem:s14], [sflag:$0x2], $0x80, s13, s13, $0xb8;
	[tilespmem:$0x17D00] =	vst v63  }
0x23: {  	_ =	swait.ge [sflag:s12], $0x4000  }
0x24: {  	s18 =	simm.s32 $0x20;
	s17 =	simm.s32 $0x10;
	[sflag:s12] =	ssyncset.done $0x0  }
.LBB2_2:
0x25: {  	s19 =	sadd.s32 s17, s10  }
0x26: {  	[sflag:s12] =	ssyncadd.s32 $0xFFFFC000;
	s20 =	smov.u32 s18;
	s21 =	sadd.s32 $0x10, s18  }
0x27: {  	[tilespmem:s4], [sflag:$0x2] =	stream.linear.gather [hbm4b:s19+s4], $0x80, $0x38;
	[tilespmem:$0x17D00] =	vst v63  }
0x28: {  	p0 =	sne.s32 s18, $0x4F0;
	_ =	swait.ge [sflag:s12], $0x80  }
0x29: {  	[sflag:s12] =	ssyncset.done $0x0  }
0x2a: {  	s18 =	sadd.s32 s17, s9;
	s17 =	smov.u32 s20;
	[sflag:s12] =	ssyncadd.s32 $0xFFFFFF80  }
0x2b: {  	[tilespmem:s13], [sflag:$0x2] =	stream.linear.gather [hbm4b:s18+s4], $0x80, $0x38;
	[tilespmem:$0x17D00] =	vst v63  }
0x2c: {  	_ =	swait.ge [sflag:s12], $0x80  }
0x2d: {  	[sflag:s12] =	ssyncset.done $0x0  }
0x2e: {  	[sflag:s12] =	ssyncadd.s32 $0xFFFFFF80  }
0x2f: {  	[tilespmem:s14], [sflag:$0x1] =	stream.indirect.gather [hbm4b:s2+s13], $0x80, s4, s13, $0xb8;
	[tilespmem:$0x17D00] =	vst v63  }
0x30: {  	_ =	swait.ge [sflag:s15], $0x4000  }
.Ltmp0:
0x31: {  	[sflag:s15] =	ssyncset.done $0x0;
	(pc) =	sbr.rel @p0 .LBB2_2-.Ltmp0, $4  }
0x32: {  	[sflag:s15] =	ssyncadd.s32 $0xFFFFC000  }
0x33: {  	[spmem:s3] =	stream.indirect.scatter.add.f32 [tilespmem:s14], [sflag:$0x2], $0x80, s13, s13, $0xb8;
	[tilespmem:$0x17D00] =	vst v63  }
0x34: {  	_ =	swait.ge [sflag:s12], $0x4000  }
0x35: {  	s18 =	smov.u32 s21;
	[sflag:s12] =	ssyncset.done $0x0  }
0x36: {  	s18 =	sadd.s32 s17, s10;
	[sflag:s12] =	ssyncadd.s32 $0xFFFFC000  }
0x37: {  	[tilespmem:s4], [sflag:$0x2] =	stream.linear.gather [hbm4b:s18+s4], $0x80, $0x38;
	[tilespmem:$0x17D00] =	vst v63  }
0x38: {  	_ =	swait.ge [sflag:s12], $0x80  }
0x39: {  	[sflag:s12] =	ssyncset.done $0x0  }
0x3a: {  	s31 =	sadd.s32 s17, s9;
	[sflag:s12] =	ssyncadd.s32 $0xFFFFFF80  }
0x3b: {  	[tilespmem:s13], [sflag:$0x2] =	stream.linear.gather [hbm4b:s31+s4], $0x80, $0x38;
	[tilespmem:$0x17D00] =	vst v63  }
0x3c: {  	_ =	swait.ge [sflag:s12], $0x80  }
0x3d: {  	[sflag:s12] =	ssyncset.done $0x0  }
0x3e: {  	[sflag:s12] =	ssyncadd.s32 $0xFFFFFF80  }
0x3f: {  	[tilespmem:s14], [sflag:$0x1] =	stream.indirect.gather [hbm4b:s2+s13], $0x80, s4, s13, $0xb8;
	[tilespmem:$0x17D00] =	vst v63  }
0x40: {  	_ =	swait.ge [sflag:s15], $0x4000  }
0x41: {  	[sflag:s15] =	ssyncset.done $0x0  }
0x42: {  	[sflag:s15] =	ssyncadd.s32 $0xFFFFC000  }
0x43: {  	[spmem:s3] =	stream.indirect.scatter.add.f32 [tilespmem:s14], [sflag:$0x2], $0x80, s13, s13, $0xb8;
	[tilespmem:$0x17D00] =	vst v63  }
0x44: {  	_ =	swait.ge [sflag:s12], $0x4000  }
0x45: {  	s16 =	sadd.s32 $0x1, s16;
	[sflag:s12] =	ssyncset.done $0x0  }
0x46: {  	p0 =	sne.s32 s16, s8;
	[sflag:s12] =	ssyncadd.s32 $0xFFFFC000  }
.Ltmp1:
0x47: {  	[bflag:$0x0] =	sbarrier.arrive $0xFFFF;
	(pc) =	sbr.rel @p0 .LBB2_1-.Ltmp1, $4  }
0x48: {  	[hbm:s7], [sflag:s6] =	dma.local [spmem:s11], $0x2780  }
0x49: {  	_ =	swait.ge [sflag:s12], $0x2780  }
0x4a: {  	[sflag:s12] =	ssyncset.done $0x0  }
0x4b: {  	[sflag:s12] =	ssyncadd.s32 $0xFFFFD880  }
0x4c: {  	_ =	sfence.sel $0x180000  }
0x4d: {  	[bflag:$0x0] =	sbarrier.arrive $0xFFFF  }
0x4e: {  	p0 =	sne.s32 s1, $0x0;
	_ =	strace $0x9000004A  }
0x4f: {  	s0 =	sadd.s32 @!p0 $0x100000, s0;
	[bflag:$0x2] =	sbarrier.arrive $0xFFFF  }
0x50: {  	[sflag:s0] =	ssyncadd.tile.s32 @!p0 $0x1;
	_ =	shalt  }
.Lfunc_end2:
_tile_overlayer_lowered:
.L_overlay_start_2:
0x51: {  	(tag) =	ssettag $0x2  }
0x52: {  	s0 =	rddreg [dreg:$0x0];
	s2 =	stileid.u32  }
0x53: {  	s1 =	rddreg [dreg:$0x1];
	p0 =	sne.s32 s2, $0x0  }
0x54: {  	s3 =	rddreg [dreg:$0x2];
	[bflag:$0x3] =	sbarrier.arrive $0xFFFF;
	s2 =	simm.s32 @!p0 $0x1C02  }
0x55: {  	[timem:s3], [sflag:s2] =	dma.local @!p0 [hbm:s0], s1  }
0x56: {  	s0 =	simm.s32 @!p0 $0x2  }
0x57: {  	_ =	swait.ge @!p0 [sflag:s0], s1  }
0x58: {  	s1 =	ssub.s32 @!p0 $0x0, s1;
	[sflag:s0] =	ssyncset.done @!p0 $0x0  }
0x59: {  	[sflag:s0] =	ssyncadd.s32 @!p0 s1  }
0x5a: {  	[bflag:$0x3] =	sbarrier.arrive $0xFFFF  }
0x5b: {  	_ =	shalt  }

// kernel: kernel.14.cloned.1.call-start
scs
__scs_entry_jumppad:
0x0: {  	(pc) =	sbr.rel $0x88, $3  }
0x1: {  	(tag) =	ssettag $0x0;
	lr =	simm.s32 $0x1  }
0x2: {  	[smem:$0x3F9B] =	sst lr;
	_ =	strace $0xD0000000  }
0x3: {  	_ = 	snop  }
0x4: {  	_ = 	snop  }
0x5: {  	_ = 	snop  }
0x6: {  	_ = 	snop  }
0x7: {  	_ = 	snop  }
__scs_overlays_trampoline_lowered:
0x8: {  	[smem:$0x3FAA] =	sst s0  }
0x9: {  	[smem:$0x3FAB] =	sst s1  }
0xa: {  	[smem:$0x3FAC] =	sst s2  }
0xb: {  	[smem:$0x3FAD] =	sst s3  }
0xc: {  	[smem:$0x3FAE] =	sst s4  }
0xd: {  	[smem:$0x3FAF] =	sst s5  }
0xe: {  	[smem:$0x3FB0] =	sst s6  }
0xf: {  	[smem:$0x3FB1] =	sst s7  }
0x10: {  	[smem:$0x3FB2] =	sst s8  }
0x11: {  	[smem:$0x3FB3] =	sst s9;
	s0 =	simm.s32 @!p0 $0x0  }
0x12: {  	s1 =	sld [smem:$0x3F99];
	s0 =	simm.s32 @p0 $0x1  }
0x13: {  	[smem:$0x3FB4] =	sst s0;
	s0 =	simm.s32 @!p1 $0x0  }
0x14: {  	s2 =	sld [smem:$0x3F98];
	s0 =	simm.s32 @p1 $0x1  }
0x15: {  	[smem:$0x3FB5] =	sst s0;
	s0 =	simm.s32 @!p2 $0x0  }
0x16: {  	s3 =	sld [smem:$0x3FDB];
	s0 =	simm.s32 @p2 $0x1  }
0x17: {  	s4 =	simm.s32 $0x1BF5;
	[smem:$0x3FB7] =	sst s0  }
0x18: {  	s0 =	sld [smem:$0x3F9A];
	_ =	swait.ge [sflag:s4], $0x0  }
0x19: {  	s7 =	sld [smem:$0x3F9B]  }
0x1a: {  	s8 =	sadd.s32 $0xFFFFE003, lr  }
0x1b: {  	s9 =	sadd.s32 $0xFFFFFEF7, lr;
	s5 =	simm.s32 $0xFFFFFFFF;
	p2 =	slt.u32 s8, $0xFFFFF086  }
0x1c: {  	p1 =	slt.u32 s9, $0xF7A;
	s5 =	simm.s32 @!p2 $0x0  }
0x1d: {  	s5 =	simm.s32 @p1 $0x1;
	p0 =	seq.s32 s7, s2  }
0x1e: {  	s7 =	smul.u32 @!p0 $0xF7A, s2;
	p2 =	seq.s32 @!p0 s5, $0x0  }
0x1f: {  	s9 =	smul.u32 $0xF7A, s1;
	s8 =	simm.s32 @!p0 $0x1BF5;
	p2 =	por !p2, p0  }
0x20: {  	[sflag:s8] =	ssyncset.s32 @!p0 $0xFFFFF086;
	s6 =	sadd.s32 @!p0 s3, s7;
	s7 =	simm.s32 @!p0 $0x108  }
0x21: {  	s3 =	sadd.s32 s3, s9;
	s6 =	sadd.s32 @!p0 $0x88, s6;
	s7 =	simm.s32 @p2 $0x1082  }
0x22: {  	[simem:s7], [sflag:s8] =	dma.local @!p0 [hbm:s6], $0xF7A  }
0x23: {  	s9 =	sor.u32 $0xD0000000, s2;
	s6 =	simm.s32 $0x108;
	_ =	swait.ge @!p0 [sflag:s8], $0x0  }
0x24: {  	s3 =	sadd.s32 $0x88, s3;
	s6 =	simm.s32 @!p1 $0x1082;
	[sflag:s4] =	ssyncset.s32 $0xFFFFF086  }
0x25: {  	[simem:s6], [sflag:s4] =	dma.local [hbm:s3], $0xF7A  }
0x26: {  	[smem:$0x3F9B] =	sst s1;
	(tag) =	ssettag s2;
	_ =	strace s9  }
0x27: {  	s1 =	sld [smem:$0x3FAB]  }
0x28: {  	s2 =	sld [smem:$0x3FAC]  }
0x29: {  	s4 =	sld [smem:$0x3FAE]  }
0x2a: {  	p0 =	seq.s32 s5, $0x0;
	s5 =	sld [smem:$0x3FAF]  }
0x2b: {  	s6 =	sld [smem:$0x3FB0]  }
0x2c: {  	s7 =	sld [smem:$0x3FB1]  }
0x2d: {  	s3 =	simm.s32 $0x108;
	s8 =	sld [smem:$0x3FB2]  }
0x2e: {  	s3 =	simm.s32 @!p0 $0x1082;
	s9 =	sld [smem:$0x3FB3]  }
0x2f: {  	lr =	sadd.s32 s0, s3;
	s0 =	sld [smem:$0x3FAA]  }
0x30: {  	s3 =	sld [smem:$0x3FAD]  }
0x31: {  	[smem:$0x3FB6] =	sst s10  }
0x32: {  	s10 =	sld [smem:$0x3FB4];
	_ =	sdelay $0x3  }
0x33: {  	p0 =	seq.s32 s10, $0x1;
	s10 =	sld [smem:$0x3FB6];
	_ =	sdelay $0x3  }
0x34: {  	[smem:$0x3FB6] =	sst s10  }
0x35: {  	s10 =	sld [smem:$0x3FB5];
	_ =	sdelay $0x3  }
0x36: {  	p1 =	seq.s32 s10, $0x1;
	s10 =	sld [smem:$0x3FB6];
	_ =	sdelay $0x3  }
0x37: {  	[smem:$0x3FB6] =	sst s10  }
0x38: {  	s10 =	sld [smem:$0x3FB7]  }
0x39: {  	_ = 	snop;
	(pc) =	sbr.ind lr, $3  }
0x3a: {  	_ = 	snop  }
0x3b: {  	_ = 	snop  }
0x3c: {  	p2 =	seq.s32 s10, $0x1;
	s10 =	sld [smem:$0x3FB6]  }
0x3d: {  	_ =	shalt  }
0x3e: {  	_ =	shalt  }
0x3f: {  	_ =	shalt  }
0x40: {  	_ =	shalt  }
0x41: {  	_ =	shalt  }
0x42: {  	_ =	shalt  }
0x43: {  	_ =	shalt  }
0x44: {  	_ =	shalt  }
0x45: {  	_ =	shalt  }
0x46: {  	_ =	shalt  }
0x47: {  	_ =	shalt  }
0x48: {  	_ =	shalt  }
0x49: {  	_ =	shalt  }
0x4a: {  	_ =	shalt  }
0x4b: {  	_ =	shalt  }
0x4c: {  	_ =	shalt  }
0x4d: {  	_ =	shalt  }
0x4e: {  	_ =	shalt  }
0x4f: {  	_ =	shalt  }
0x50: {  	_ =	shalt  }
0x51: {  	_ =	shalt  }
0x52: {  	_ =	shalt  }
0x53: {  	_ =	shalt  }
0x54: {  	_ =	shalt  }
0x55: {  	_ =	shalt  }
0x56: {  	_ =	shalt  }
0x57: {  	_ =	shalt  }
0x58: {  	_ =	shalt  }
0x59: {  	_ =	shalt  }
0x5a: {  	_ =	shalt  }
0x5b: {  	_ =	shalt  }
0x5c: {  	_ =	shalt  }
0x5d: {  	_ =	shalt  }
0x5e: {  	_ =	shalt  }
0x5f: {  	_ =	shalt  }
0x60: {  	_ =	shalt  }
0x61: {  	_ =	shalt  }
0x62: {  	_ =	shalt  }
0x63: {  	_ =	shalt  }
0x64: {  	_ =	shalt  }
0x65: {  	_ =	shalt  }
0x66: {  	_ =	shalt  }
0x67: {  	_ =	shalt  }
0x68: {  	_ =	shalt  }
0x69: {  	_ =	shalt  }
0x6a: {  	_ =	shalt  }
0x6b: {  	_ =	shalt  }
0x6c: {  	_ =	shalt  }
0x6d: {  	_ =	shalt  }
0x6e: {  	_ =	shalt  }
0x6f: {  	_ =	shalt  }
0x70: {  	_ =	shalt  }
0x71: {  	_ =	shalt  }
0x72: {  	_ =	shalt  }
0x73: {  	_ =	shalt  }
0x74: {  	_ =	shalt  }
0x75: {  	_ =	shalt  }
0x76: {  	_ =	shalt  }
0x77: {  	_ =	shalt  }
0x78: {  	_ =	shalt  }
0x79: {  	_ =	shalt  }
0x7a: {  	_ =	shalt  }
0x7b: {  	_ =	shalt  }
0x7c: {  	_ =	shalt  }
0x7d: {  	_ =	shalt  }
0x7e: {  	_ =	shalt  }
0x7f: {  	_ =	shalt  }
0x80: {  	_ =	shalt  }
0x81: {  	_ =	shalt  }
0x82: {  	_ =	shalt  }
0x83: {  	_ =	shalt  }
0x84: {  	_ =	shalt  }
0x85: {  	_ =	shalt  }
0x86: {  	_ =	shalt  }
0x87: {  	_ =	shalt  }
.Lfunc_end0:
.L_simem_size_0:
called_computation.2_lowered:
.L_overlay_start_0:
0x88: {  	s2 =	sld [smem:$0x3FD9]  }
0x89: {  	s3 =	sld [smem:$0x3FFE];
	_ =	sdelay $0x1  }
0x8a: {  	s1 =	srdreg.scid  }
0x8b: {  	s0 =	sand.u32 $0x1, s1  }
0x8c: {  	s17 =	sshll.u32 s0, $0xA;
	s2 =	sadd.s32 s3, s2  }
0x8d: {  	s2 =	sadd.s32 s2, s17  }
0x8e: {  	[smem:$0x3FC2] =	sst s2  }
0x8f: {  	_ = 	snop  }
0x90: {  	s2 =	sld [smem:$0x3FD0];
	(tm) =	ssettm $0x1  }
0x91: {  	s18 =	sld [smem:$0x3FFB];
	_ =	sdelay $0x3  }
0x92: {  	_ =	strace s18  }
0x93: {  	s3 =	sld [smem:$0x3FFC];
	_ =	sdelay $0x3  }
0x94: {  	_ =	strace s3  }
0x95: {  	s3 =	sld [smem:$0x3FFD];
	_ =	sdelay $0x3  }
0x96: {  	_ =	strace s3  }
0x97: {  	_ =	strace $0x8FFFFFFF  }
0x98: {  	s19 =	sld [smem:$0x3FDB];
	_ =	sdelay $0x1  }
0x99: {  	s4 =	simm.s32 $_scs_section_size  }
0x9a: {  	s5 =	simm.s32 $_size__tile_overlayer_lowered;
	s6 =	simm.s32 $_tile_overlayer_lowered  }
0x9b: {  	s22 =	simm.s32 $0x1BFF;
	s21 =	sshll.u32 s6, $0x1;
	s3 =	sadd.s32 s4, s19  }
0x9c: {  	s7 =	simm.s32 $0x0;
	s20 =	sshll.u32 s5, $0x1;
	s5 =	sadd.s32 s21, s3  }
0x9d: {  	[timem:s7], [sflag:s22] =	dma.local [hbm:s5], s20  }
0x9e: {  	_ =	swait.ge [sflag:s22], s20  }
0x9f: {  	s4 =	ssub.s32 $0x0, s20;
	[sflag:s22] =	ssyncset.done $0x0  }
0xa0: {  	[sflag:s22] =	ssyncadd.s32 s4;
	_ =	sdelay $0x1  }
0xa1: {  	s23 =	simm.s32 $0x1B8B  }
0xa2: {  	_ =	swait.ge [sflag:s23], $0x1  }
0xa3: {  	[sflag:s23] =	ssyncset.done $0x0  }
0xa4: {  	s25 =	simm.s32 $0x1B8E;
	s24 =	sld [smem:$0x3FFE];
	[sflag:s23] =	ssyncadd.s32 $0xFFFFFFFF  }
0xa5: {  	s26 =	simm.s32 $execute0_lowered;
	[smem:$0x3FD2] =	sst s25  }
0xa6: {  	s5 =	sshll.u32 s26, $0x1;
	_ =	strace $0x8000004C;
	[dreg:$0x1] =	wrdreg $0xFFFFFFFF  }
0xa7: {  	s28 =	simm.s32 $_size_execute0_lowered;
	s3 =	sadd.s32 s3, s5;
	[dreg:$0x0] =	wrdreg $0x0  }
0xa8: {  	s5 =	sshll.u32 s28, $0x1;
	[dreg:$0x2] =	wrdreg s3  }
0xa9: {  	[dreg:$0x3] =	wrdreg s5  }
0xaa: {  	[dreg:$0x4] =	wrdreg $0xC0  }
0xab: {  	_ =	task [dreg:s7], $0x5FFFF  }
0xac: {  	[dreg:$0x1] =	wrdreg $0xFFFFFFFF  }
0xad: {  	[dreg:$0x0] =	wrdreg $0x60  }
0xae: {  	[dreg:$0x2] =	wrdreg s2  }
0xaf: {  	[dreg:$0x3] =	wrdreg s24  }
0xb0: {  	[dreg:$0x4] =	wrdreg $0x41000  }
0xb1: {  	[dreg:$0x5] =	wrdreg $0x9  }
0xb2: {  	_ =	task.clear_ibuf [dreg:s7], $0x6FFFF;
	_ =	strace $0x9000004C  }
0xb3: {  	s29 =	simm.s32 $0x9;
	_ =	strace $0x8000004E  }
0xb4: {  	_ =	swait.ge [sflag:s29], $0x1  }
0xb5: {  	[sflag:s29] =	ssyncadd.s32 $0xFFFFFFFF  }
0xb6: {  	_ =	strace $0x9000004E  }
0xb7: {  	_ =	sfence  }
0xb8: {  	s30 =	sld [smem:$0x0];
	_ =	sdelay $0x2  }
0xb9: {  	s31 =	sshll.u32 s1, $0xD;
	s1 =	sshrl.u32 s1, $0x2  }
0xba: {  	s3 =	sand.u32 $0x4000, s31;
	s1 =	sadd.s32 s1, s30  }
0xbb: {  	s0 =	sor.u32 s3, s0;
	s1 =	sshll.u32 s1, $0x11  }
0xbc: {  	s0 =	sor.u32 s1, s0  }
0xbd: {  	s0 =	sadd.s32 $0x8F2B, s0  }
0xbe: {  	[sflag:s0] =	ssyncadd.remote.s32 $0x1  }
0xbf: {  	_ =	sfence.sel $0xFFFF  }
0xc0: {  	[dreg:$0x0] =	wrdreg $0xFFFFFFFF;
	(pc) =	sbr.abs _section_cstart, $3  }
0xc1: {  	[dreg:$0x1] =	wrdreg $0xFFFFFFFF  }
0xc2: {  	_ =	task.clear_ibuf [dreg:s7], $0x2FFFF;
	_ =	strace $0x9FFFFFFF  }
0xc3: {  	(tm) =	ssettm $0x7FFFFFFF  }
tec
execute0_lowered:
.L_overlay_start_1:
0x0: {  	(tag) =	ssettag $0x1  }
0x1: {  	s2 =	rddreg [dreg:$0x0]  }
0x2: {  	s5 =	rddreg [dreg:$0x1]  }
0x3: {  	s3 =	rddreg [dreg:$0x2]  }
0x4: {  	s0 =	rddreg [dreg:$0x3]  }
0x5: {  	s1 =	stileid.u32;
	s7 =	srdreg.scid;
	s4 =	simm.s32 $0x0  }
0x6: {  	s13 =	simm.s32 $0x80;
	s14 =	simm.s32 $0x100;
	s6 =	smul.u32 $0xA00, s1  }
0x7: {  	s15 =	simm.s32 $0x1;
	s16 =	simm.s32 $0x0;
	s8 =	smul.u32 $0x13C00, s1  }
0x8: {  	s7 =	sand.u32 $0x1, s7;
	[smem:$0x7FF] =	sst s4;
	s11 =	smul.u32 $0x4F000, s1  }
0x9: {  	s31 =	sshll.u32 s1, $0x6;
	s9 =	smul.u32 $0x13C000, s7;
	_ =	strace $0x8000004D  }
0xa: {  	s26 =	ssub.s32 $0x2, s7;
	s30 =	smul.u32 $0x500, s7;
	s10 =	sadd.s32 s6, s5  }
0xb: {  	s25 =	sshrl.u32 s8, $0x3;
	s28 =	sshrl.u32 s26, $0x1;
	s29 =	sshrl.u32 s11, $0x2  }
0xc: {  	s8 =	sadd.s32 s8, s9;
	s6 =	sadd.s32 s25, s5;
	s9 =	ssub.s32 s26, s28  }
0xd: {  	s12 =	sadd.s32 s29, s3;
	s10 =	sadd.s32 s30, s10;
	s8 =	sshrl.u32 s8, $0x3  }
0xe: {  	s11 =	sshrl.u32 s12, $0x3;
	s12 =	simm.s32 $0x2;
	s8 =	sadd.s32 s8, s5  }
0xf: {  	s5 =	sadd.s32 $0x64600, s6;
	s6 =	sor.u32 $0x1C02, s31;
	s7 =	sadd.s32 $0x8BE00, s8  }
0x10: {  	s8 =	smax.u32 s9, $0x1;
	s9 =	sadd.s32 $0xC200, s10;
	s10 =	sadd.s32 $0x2000, s10  }
.LBB2_1:
0x11: {  	[spmem:s11], [sflag:s6] =	dma.local [hbm:s5], $0x2780  }
0x12: {  	_ =	swait.ge [sflag:s12], $0x2780  }
0x13: {  	[sflag:s12] =	ssyncset.done $0x0  }
0x14: {  	[sflag:s12] =	ssyncadd.s32 $0xFFFFD880  }
0x15: {  	s17 =	sadd.s32 $0x0, s10;
	[bflag:$0x0] =	sbarrier.arrive $0xFFFF  }
0x16: {  	[tilespmem:s4], [sflag:$0x2] =	stream.linear.gather [hbm4b:s17+s4], $0x80, $0x38;
	[tilespmem:$0x17D00] =	vst v63  }
0x17: {  	_ =	swait.ge [sflag:s12], $0x80  }
0x18: {  	[sflag:s12] =	ssyncset.done $0x0  }
0x19: {  	s31 =	sadd.s32 $0x0, s9;
	[sflag:s12] =	ssyncadd.s32 $0xFFFFFF80  }
0x1a: {  	[tilespmem:s13], [sflag:$0x2] =	stream.linear.gather [hbm4b:s31+s4], $0x80, $0x38;
	[tilespmem:$0x17D00] =	vst v63  }
0x1b: {  	_ =	swait.ge [sflag:s12], $0x80  }
0x1c: {  	[sflag:s12] =	ssyncset.done $0x0  }
0x1d: {  	[sflag:s12] =	ssyncadd.s32 $0xFFFFFF80  }
0x1e: {  	[tilespmem:s14], [sflag:$0x1] =	stream.indirect.gather [hbm4b:s2+s13], $0x80, s4, s13, $0xb8;
	[tilespmem:$0x17D00] =	vst v63  }
0x1f: {  	_ =	swait.ge [sflag:s15], $0x4000  }
0x20: {  	[sflag:s15] =	ssyncset.done $0x0  }
0x21: {  	[sflag:s15] =	ssyncadd.s32 $0xFFFFC000  }
0x22: {  	[spmem:s3] =	stream.indirect.scatter.add.f32 [tilespmem:s14], [sflag:$0x2], $0x80, s13, s13, $0xb8;
	[tilespmem:$0x17D00] =	vst v63  }
0x23: {  	_ =	swait.ge [sflag:s12], $0x4000  }
0x24: {  	s18 =	simm.s32 $0x20;
	s17 =	simm.s32 $0x10;
	[sflag:s12] =	ssyncset.done $0x0  }
.LBB2_2:
0x25: {  	s19 =	sadd.s32 s17, s10  }
0x26: {  	[sflag:s12] =	ssyncadd.s32 $0xFFFFC000;
	s20 =	smov.u32 s18;
	s21 =	sadd.s32 $0x10, s18  }
0x27: {  	[tilespmem:s4], [sflag:$0x2] =	stream.linear.gather [hbm4b:s19+s4], $0x80, $0x38;
	[tilespmem:$0x17D00] =	vst v63  }
0x28: {  	p0 =	sne.s32 s18, $0x4F0;
	_ =	swait.ge [sflag:s12], $0x80  }
0x29: {  	[sflag:s12] =	ssyncset.done $0x0  }
0x2a: {  	s18 =	sadd.s32 s17, s9;
	s17 =	smov.u32 s20;
	[sflag:s12] =	ssyncadd.s32 $0xFFFFFF80  }
0x2b: {  	[tilespmem:s13], [sflag:$0x2] =	stream.linear.gather [hbm4b:s18+s4], $0x80, $0x38;
	[tilespmem:$0x17D00] =	vst v63  }
0x2c: {  	_ =	swait.ge [sflag:s12], $0x80  }
0x2d: {  	[sflag:s12] =	ssyncset.done $0x0  }
0x2e: {  	[sflag:s12] =	ssyncadd.s32 $0xFFFFFF80  }
0x2f: {  	[tilespmem:s14], [sflag:$0x1] =	stream.indirect.gather [hbm4b:s2+s13], $0x80, s4, s13, $0xb8;
	[tilespmem:$0x17D00] =	vst v63  }
0x30: {  	_ =	swait.ge [sflag:s15], $0x4000  }
.Ltmp0:
0x31: {  	[sflag:s15] =	ssyncset.done $0x0;
	(pc) =	sbr.rel @p0 .LBB2_2-.Ltmp0, $4  }
0x32: {  	[sflag:s15] =	ssyncadd.s32 $0xFFFFC000  }
0x33: {  	[spmem:s3] =	stream.indirect.scatter.add.f32 [tilespmem:s14], [sflag:$0x2], $0x80, s13, s13, $0xb8;
	[tilespmem:$0x17D00] =	vst v63  }
0x34: {  	_ =	swait.ge [sflag:s12], $0x4000  }
0x35: {  	s18 =	smov.u32 s21;
	[sflag:s12] =	ssyncset.done $0x0  }
0x36: {  	s18 =	sadd.s32 s17, s10;
	[sflag:s12] =	ssyncadd.s32 $0xFFFFC000  }
0x37: {  	[tilespmem:s4], [sflag:$0x2] =	stream.linear.gather [hbm4b:s18+s4], $0x80, $0x38;
	[tilespmem:$0x17D00] =	vst v63  }
0x38: {  	_ =	swait.ge [sflag:s12], $0x80  }
0x39: {  	[sflag:s12] =	ssyncset.done $0x0  }
0x3a: {  	s31 =	sadd.s32 s17, s9;
	[sflag:s12] =	ssyncadd.s32 $0xFFFFFF80  }
0x3b: {  	[tilespmem:s13], [sflag:$0x2] =	stream.linear.gather [hbm4b:s31+s4], $0x80, $0x38;
	[tilespmem:$0x17D00] =	vst v63  }
0x3c: {  	_ =	swait.ge [sflag:s12], $0x80  }
0x3d: {  	[sflag:s12] =	ssyncset.done $0x0  }
0x3e: {  	[sflag:s12] =	ssyncadd.s32 $0xFFFFFF80  }
0x3f: {  	[tilespmem:s14], [sflag:$0x1] =	stream.indirect.gather [hbm4b:s2+s13], $0x80, s4, s13, $0xb8;
	[tilespmem:$0x17D00] =	vst v63  }
0x40: {  	_ =	swait.ge [sflag:s15], $0x4000  }
0x41: {  	[sflag:s15] =	ssyncset.done $0x0  }
0x42: {  	[sflag:s15] =	ssyncadd.s32 $0xFFFFC000  }
0x43: {  	[spmem:s3] =	stream.indirect.scatter.add.f32 [tilespmem:s14], [sflag:$0x2], $0x80, s13, s13, $0xb8;
	[tilespmem:$0x17D00] =	vst v63  }
0x44: {  	_ =	swait.ge [sflag:s12], $0x4000  }
0x45: {  	s16 =	sadd.s32 $0x1, s16;
	[sflag:s12] =	ssyncset.done $0x0  }
0x46: {  	p0 =	sne.s32 s16, s8;
	[sflag:s12] =	ssyncadd.s32 $0xFFFFC000  }
.Ltmp1:
0x47: {  	[bflag:$0x0] =	sbarrier.arrive $0xFFFF;
	(pc) =	sbr.rel @p0 .LBB2_1-.Ltmp1, $4  }
0x48: {  	[hbm:s7], [sflag:s6] =	dma.local [spmem:s11], $0x2780  }
0x49: {  	_ =	swait.ge [sflag:s12], $0x2780  }
0x4a: {  	[sflag:s12] =	ssyncset.done $0x0  }
0x4b: {  	[sflag:s12] =	ssyncadd.s32 $0xFFFFD880  }
0x4c: {  	_ =	sfence.sel $0x180000  }
0x4d: {  	[bflag:$0x0] =	sbarrier.arrive $0xFFFF  }
0x4e: {  	p0 =	sne.s32 s1, $0x0;
	_ =	strace $0x9000004D  }
0x4f: {  	s0 =	sadd.s32 @!p0 $0x100000, s0;
	[bflag:$0x2] =	sbarrier.arrive $0xFFFF  }
0x50: {  	[sflag:s0] =	ssyncadd.tile.s32 @!p0 $0x1;
	_ =	shalt  }
.Lfunc_end2:
_tile_overlayer_lowered:
.L_overlay_start_2:
0x51: {  	(tag) =	ssettag $0x2  }
0x52: {  	s0 =	rddreg [dreg:$0x0];
	s2 =	stileid.u32  }
0x53: {  	s1 =	rddreg [dreg:$0x1];
	p0 =	sne.s32 s2, $0x0  }
0x54: {  	s3 =	rddreg [dreg:$0x2];
	[bflag:$0x3] =	sbarrier.arrive $0xFFFF;
	s2 =	simm.s32 @!p0 $0x1C02  }
0x55: {  	[timem:s3], [sflag:s2] =	dma.local @!p0 [hbm:s0], s1  }
0x56: {  	s0 =	simm.s32 @!p0 $0x2  }
0x57: {  	_ =	swait.ge @!p0 [sflag:s0], s1  }
0x58: {  	s1 =	ssub.s32 @!p0 $0x0, s1;
	[sflag:s0] =	ssyncset.done @!p0 $0x0  }
0x59: {  	[sflag:s0] =	ssyncadd.s32 @!p0 s1  }
0x5a: {  	[bflag:$0x3] =	sbarrier.arrive $0xFFFF  }
0x5b: {  	_ =	shalt  }

// kernel: kernel.8.cloned.1.call-start
scs
__scs_entry_jumppad:
0x0: {  	(pc) =	sbr.rel $0x88, $3  }
0x1: {  	(tag) =	ssettag $0x0;
	lr =	simm.s32 $0x1  }
0x2: {  	[smem:$0x3F9B] =	sst lr;
	_ =	strace $0xD0000000  }
0x3: {  	_ = 	snop  }
0x4: {  	_ = 	snop  }
0x5: {  	_ = 	snop  }
0x6: {  	_ = 	snop  }
0x7: {  	_ = 	snop  }
__scs_overlays_trampoline_lowered:
0x8: {  	[smem:$0x3FAA] =	sst s0  }
0x9: {  	[smem:$0x3FAB] =	sst s1  }
0xa: {  	[smem:$0x3FAC] =	sst s2  }
0xb: {  	[smem:$0x3FAD] =	sst s3  }
0xc: {  	[smem:$0x3FAE] =	sst s4  }
0xd: {  	[smem:$0x3FAF] =	sst s5  }
0xe: {  	[smem:$0x3FB0] =	sst s6  }
0xf: {  	[smem:$0x3FB1] =	sst s7  }
0x10: {  	[smem:$0x3FB2] =	sst s8  }
0x11: {  	[smem:$0x3FB3] =	sst s9;
	s0 =	simm.s32 @!p0 $0x0  }
0x12: {  	s1 =	sld [smem:$0x3F99];
	s0 =	simm.s32 @p0 $0x1  }
0x13: {  	[smem:$0x3FB4] =	sst s0;
	s0 =	simm.s32 @!p1 $0x0  }
0x14: {  	s2 =	sld [smem:$0x3F98];
	s0 =	simm.s32 @p1 $0x1  }
0x15: {  	[smem:$0x3FB5] =	sst s0;
	s0 =	simm.s32 @!p2 $0x0  }
0x16: {  	s3 =	sld [smem:$0x3FDB];
	s0 =	simm.s32 @p2 $0x1  }
0x17: {  	s4 =	simm.s32 $0x1BF5;
	[smem:$0x3FB7] =	sst s0  }
0x18: {  	s0 =	sld [smem:$0x3F9A];
	_ =	swait.ge [sflag:s4], $0x0  }
0x19: {  	s7 =	sld [smem:$0x3F9B]  }
0x1a: {  	s8 =	sadd.s32 $0xFFFFE003, lr  }
0x1b: {  	s9 =	sadd.s32 $0xFFFFFEF7, lr;
	s5 =	simm.s32 $0xFFFFFFFF;
	p2 =	slt.u32 s8, $0xFFFFF086  }
0x1c: {  	p1 =	slt.u32 s9, $0xF7A;
	s5 =	simm.s32 @!p2 $0x0  }
0x1d: {  	s5 =	simm.s32 @p1 $0x1;
	p0 =	seq.s32 s7, s2  }
0x1e: {  	s7 =	smul.u32 @!p0 $0xF7A, s2;
	p2 =	seq.s32 @!p0 s5, $0x0  }
0x1f: {  	s9 =	smul.u32 $0xF7A, s1;
	s8 =	simm.s32 @!p0 $0x1BF5;
	p2 =	por !p2, p0  }
0x20: {  	[sflag:s8] =	ssyncset.s32 @!p0 $0xFFFFF086;
	s6 =	sadd.s32 @!p0 s3, s7;
	s7 =	simm.s32 @!p0 $0x108  }
0x21: {  	s3 =	sadd.s32 s3, s9;
	s6 =	sadd.s32 @!p0 $0x88, s6;
	s7 =	simm.s32 @p2 $0x1082  }
0x22: {  	[simem:s7], [sflag:s8] =	dma.local @!p0 [hbm:s6], $0xF7A  }
0x23: {  	s9 =	sor.u32 $0xD0000000, s2;
	s6 =	simm.s32 $0x108;
	_ =	swait.ge @!p0 [sflag:s8], $0x0  }
0x24: {  	s3 =	sadd.s32 $0x88, s3;
	s6 =	simm.s32 @!p1 $0x1082;
	[sflag:s4] =	ssyncset.s32 $0xFFFFF086  }
0x25: {  	[simem:s6], [sflag:s4] =	dma.local [hbm:s3], $0xF7A  }
0x26: {  	[smem:$0x3F9B] =	sst s1;
	(tag) =	ssettag s2;
	_ =	strace s9  }
0x27: {  	s1 =	sld [smem:$0x3FAB]  }
0x28: {  	s2 =	sld [smem:$0x3FAC]  }
0x29: {  	s4 =	sld [smem:$0x3FAE]  }
0x2a: {  	p0 =	seq.s32 s5, $0x0;
	s5 =	sld [smem:$0x3FAF]  }
0x2b: {  	s6 =	sld [smem:$0x3FB0]  }
0x2c: {  	s7 =	sld [smem:$0x3FB1]  }
0x2d: {  	s3 =	simm.s32 $0x108;
	s8 =	sld [smem:$0x3FB2]  }
0x2e: {  	s3 =	simm.s32 @!p0 $0x1082;
	s9 =	sld [smem:$0x3FB3]  }
0x2f: {  	lr =	sadd.s32 s0, s3;
	s0 =	sld [smem:$0x3FAA]  }
0x30: {  	s3 =	sld [smem:$0x3FAD]  }
0x31: {  	[smem:$0x3FB6] =	sst s10  }
0x32: {  	s10 =	sld [smem:$0x3FB4];
	_ =	sdelay $0x3  }
0x33: {  	p0 =	seq.s32 s10, $0x1;
	s10 =	sld [smem:$0x3FB6];
	_ =	sdelay $0x3  }
0x34: {  	[smem:$0x3FB6] =	sst s10  }
0x35: {  	s10 =	sld [smem:$0x3FB5];
	_ =	sdelay $0x3  }
0x36: {  	p1 =	seq.s32 s10, $0x1;
	s10 =	sld [smem:$0x3FB6];
	_ =	sdelay $0x3  }
0x37: {  	[smem:$0x3FB6] =	sst s10  }
0x38: {  	s10 =	sld [smem:$0x3FB7]  }
0x39: {  	_ = 	snop;
	(pc) =	sbr.ind lr, $3  }
0x3a: {  	_ = 	snop  }
0x3b: {  	_ = 	snop  }
0x3c: {  	p2 =	seq.s32 s10, $0x1;
	s10 =	sld [smem:$0x3FB6]  }
0x3d: {  	_ =	shalt  }
0x3e: {  	_ =	shalt  }
0x3f: {  	_ =	shalt  }
0x40: {  	_ =	shalt  }
0x41: {  	_ =	shalt  }
0x42: {  	_ =	shalt  }
0x43: {  	_ =	shalt  }
0x44: {  	_ =	shalt  }
0x45: {  	_ =	shalt  }
0x46: {  	_ =	shalt  }
0x47: {  	_ =	shalt  }
0x48: {  	_ =	shalt  }
0x49: {  	_ =	shalt  }
0x4a: {  	_ =	shalt  }
0x4b: {  	_ =	shalt  }
0x4c: {  	_ =	shalt  }
0x4d: {  	_ =	shalt  }
0x4e: {  	_ =	shalt  }
0x4f: {  	_ =	shalt  }
0x50: {  	_ =	shalt  }
0x51: {  	_ =	shalt  }
0x52: {  	_ =	shalt  }
0x53: {  	_ =	shalt  }
0x54: {  	_ =	shalt  }
0x55: {  	_ =	shalt  }
0x56: {  	_ =	shalt  }
0x57: {  	_ =	shalt  }
0x58: {  	_ =	shalt  }
0x59: {  	_ =	shalt  }
0x5a: {  	_ =	shalt  }
0x5b: {  	_ =	shalt  }
0x5c: {  	_ =	shalt  }
0x5d: {  	_ =	shalt  }
0x5e: {  	_ =	shalt  }
0x5f: {  	_ =	shalt  }
0x60: {  	_ =	shalt  }
0x61: {  	_ =	shalt  }
0x62: {  	_ =	shalt  }
0x63: {  	_ =	shalt  }
0x64: {  	_ =	shalt  }
0x65: {  	_ =	shalt  }
0x66: {  	_ =	shalt  }
0x67: {  	_ =	shalt  }
0x68: {  	_ =	shalt  }
0x69: {  	_ =	shalt  }
0x6a: {  	_ =	shalt  }
0x6b: {  	_ =	shalt  }
0x6c: {  	_ =	shalt  }
0x6d: {  	_ =	shalt  }
0x6e: {  	_ =	shalt  }
0x6f: {  	_ =	shalt  }
0x70: {  	_ =	shalt  }
0x71: {  	_ =	shalt  }
0x72: {  	_ =	shalt  }
0x73: {  	_ =	shalt  }
0x74: {  	_ =	shalt  }
0x75: {  	_ =	shalt  }
0x76: {  	_ =	shalt  }
0x77: {  	_ =	shalt  }
0x78: {  	_ =	shalt  }
0x79: {  	_ =	shalt  }
0x7a: {  	_ =	shalt  }
0x7b: {  	_ =	shalt  }
0x7c: {  	_ =	shalt  }
0x7d: {  	_ =	shalt  }
0x7e: {  	_ =	shalt  }
0x7f: {  	_ =	shalt  }
0x80: {  	_ =	shalt  }
0x81: {  	_ =	shalt  }
0x82: {  	_ =	shalt  }
0x83: {  	_ =	shalt  }
0x84: {  	_ =	shalt  }
0x85: {  	_ =	shalt  }
0x86: {  	_ =	shalt  }
0x87: {  	_ =	shalt  }
.Lfunc_end0:
.L_simem_size_0:
called_computation_lowered:
.L_overlay_start_0:
0x88: {  	s2 =	sld [smem:$0x3FD9]  }
0x89: {  	s3 =	sld [smem:$0x3FFE];
	_ =	sdelay $0x1  }
0x8a: {  	s1 =	srdreg.scid  }
0x8b: {  	s0 =	sand.u32 $0x1, s1  }
0x8c: {  	s17 =	sshll.u32 s0, $0xA;
	s2 =	sadd.s32 s3, s2  }
0x8d: {  	s2 =	sadd.s32 s2, s17  }
0x8e: {  	[smem:$0x3FC2] =	sst s2  }
0x8f: {  	_ = 	snop  }
0x90: {  	s2 =	sld [smem:$0x3FD0];
	(tm) =	ssettm $0x1  }
0x91: {  	s18 =	sld [smem:$0x3FFB];
	_ =	sdelay $0x3  }
0x92: {  	_ =	strace s18  }
0x93: {  	s3 =	sld [smem:$0x3FFC];
	_ =	sdelay $0x3  }
0x94: {  	_ =	strace s3  }
0x95: {  	s3 =	sld [smem:$0x3FFD];
	_ =	sdelay $0x3  }
0x96: {  	_ =	strace s3  }
0x97: {  	_ =	strace $0x8FFFFFFF  }
0x98: {  	s19 =	sld [smem:$0x3FDB];
	_ =	sdelay $0x1  }
0x99: {  	s4 =	simm.s32 $_scs_section_size  }
0x9a: {  	s5 =	simm.s32 $_size__tile_overlayer_lowered;
	s6 =	simm.s32 $_tile_overlayer_lowered  }
0x9b: {  	s22 =	simm.s32 $0x1BFF;
	s21 =	sshll.u32 s6, $0x1;
	s3 =	sadd.s32 s4, s19  }
0x9c: {  	s7 =	simm.s32 $0x0;
	s20 =	sshll.u32 s5, $0x1;
	s5 =	sadd.s32 s21, s3  }
0x9d: {  	[timem:s7], [sflag:s22] =	dma.local [hbm:s5], s20  }
0x9e: {  	_ =	swait.ge [sflag:s22], s20  }
0x9f: {  	s4 =	ssub.s32 $0x0, s20;
	[sflag:s22] =	ssyncset.done $0x0  }
0xa0: {  	[sflag:s22] =	ssyncadd.s32 s4;
	_ =	sdelay $0x1  }
0xa1: {  	s23 =	simm.s32 $0x1B8B  }
0xa2: {  	_ =	swait.ge [sflag:s23], $0x1  }
0xa3: {  	[sflag:s23] =	ssyncset.done $0x0  }
0xa4: {  	s25 =	simm.s32 $0x1B8E;
	s24 =	sld [smem:$0x3FFE];
	[sflag:s23] =	ssyncadd.s32 $0xFFFFFFFF  }
0xa5: {  	s26 =	simm.s32 $execute0_lowered;
	[smem:$0x3FD2] =	sst s25  }
0xa6: {  	s5 =	sshll.u32 s26, $0x1;
	_ =	strace $0x80000046;
	[dreg:$0x1] =	wrdreg $0xFFFFFFFF  }
0xa7: {  	s28 =	simm.s32 $_size_execute0_lowered;
	s3 =	sadd.s32 s3, s5;
	[dreg:$0x0] =	wrdreg $0x0  }
0xa8: {  	s5 =	sshll.u32 s28, $0x1;
	[dreg:$0x2] =	wrdreg s3  }
0xa9: {  	[dreg:$0x3] =	wrdreg s5  }
0xaa: {  	[dreg:$0x4] =	wrdreg $0xC0  }
0xab: {  	_ =	task [dreg:s7], $0x5FFFF  }
0xac: {  	[dreg:$0x1] =	wrdreg $0xFFFFFFFF  }
0xad: {  	[dreg:$0x0] =	wrdreg $0x60  }
0xae: {  	[dreg:$0x2] =	wrdreg s24  }
0xaf: {  	[dreg:$0x3] =	wrdreg s2  }
0xb0: {  	[dreg:$0x4] =	wrdreg $0x40800  }
0xb1: {  	[dreg:$0x5] =	wrdreg $0x9  }
0xb2: {  	_ =	task.clear_ibuf [dreg:s7], $0x6FFFF;
	_ =	strace $0x90000046  }
0xb3: {  	s29 =	simm.s32 $0x9;
	_ =	strace $0x80000048  }
0xb4: {  	_ =	swait.ge [sflag:s29], $0x1  }
0xb5: {  	[sflag:s29] =	ssyncadd.s32 $0xFFFFFFFF  }
0xb6: {  	_ =	strace $0x90000048  }
0xb7: {  	_ =	sfence  }
0xb8: {  	s30 =	sld [smem:$0x0];
	_ =	sdelay $0x2  }
0xb9: {  	s31 =	sshll.u32 s1, $0xD;
	s1 =	sshrl.u32 s1, $0x2  }
0xba: {  	s3 =	sand.u32 $0x4000, s31;
	s1 =	sadd.s32 s1, s30  }
0xbb: {  	s0 =	sor.u32 s3, s0;
	s1 =	sshll.u32 s1, $0x11  }
0xbc: {  	s0 =	sor.u32 s1, s0  }
0xbd: {  	s0 =	sadd.s32 $0x8F2B, s0  }
0xbe: {  	[sflag:s0] =	ssyncadd.remote.s32 $0x1  }
0xbf: {  	_ =	sfence.sel $0xFFFF  }
0xc0: {  	[dreg:$0x0] =	wrdreg $0xFFFFFFFF;
	(pc) =	sbr.abs _section_cstart, $3  }
0xc1: {  	[dreg:$0x1] =	wrdreg $0xFFFFFFFF  }
0xc2: {  	_ =	task.clear_ibuf [dreg:s7], $0x2FFFF;
	_ =	strace $0x9FFFFFFF  }
0xc3: {  	(tm) =	ssettm $0x7FFFFFFF  }
tec
execute0_lowered:
.L_overlay_start_1:
0x0: {  	(tag) =	ssettag $0x1  }
0x1: {  	s5 =	rddreg [dreg:$0x0]  }
0x2: {  	s2 =	rddreg [dreg:$0x1]  }
0x3: {  	s3 =	rddreg [dreg:$0x2]  }
0x4: {  	s0 =	rddreg [dreg:$0x3];
	s1 =	stileid.u32  }
0x5: {  	s7 =	srdreg.scid;
	s6 =	smul.u32 $0x13C00, s1  }
0x6: {  	s4 =	simm.s32 $0x0;
	s13 =	simm.s32 $0x0;
	s8 =	smul.u32 $0xA00, s1  }
0x7: {  	s7 =	sand.u32 $0x1, s7;
	[smem:$0x7FF] =	sst s4;
	s11 =	smul.u32 $0x4F000, s1  }
0x8: {  	s31 =	sshll.u32 s1, $0x6;
	s10 =	smul.u32 $0x13C000, s7;
	_ =	strace $0x80000047  }
0x9: {  	s28 =	ssub.s32 $0x2, s7;
	s7 =	smul.u32 $0x500, s7;
	s9 =	sshrl.u32 s6, $0x3  }
0xa: {  	s8 =	sadd.s32 s8, s5;
	s12 =	sshrl.u32 s28, $0x1;
	s29 =	sshrl.u32 s11, $0x2  }
0xb: {  	s11 =	sor.u32 $0x1C01, s31;
	s9 =	sadd.s32 s9, s5;
	s6 =	sadd.s32 s6, s10  }
0xc: {  	s10 =	ssub.s32 s28, s12;
	s30 =	sadd.s32 s29, s3;
	s8 =	sadd.s32 s7, s8  }
0xd: {  	s6 =	sshrl.u32 s6, $0x3;
	s7 =	smax.u32 s10, $0x1;
	s8 =	sadd.s32 $0xC200, s8  }
0xe: {  	s10 =	simm.s32 $0x1;
	s12 =	sshrl.u32 s30, $0x3;
	s6 =	sadd.s32 s6, s5  }
0xf: {  	s5 =	sadd.s32 $0x16400, s9;
	s9 =	simm.s32 $0x80;
	s6 =	sadd.s32 $0x3DC00, s6  }
.LBB2_1:
0x10: {  	[tilespmem:s9], [sflag:$0x1] =	stream.linear.gather [hbm4b:s2+s4], $0x4000, $0x38;
	[tilespmem:$0x6800] =	vst v63  }
0x11: {  	_ =	swait.ge [sflag:s10], $0x4000  }
0x12: {  	[sflag:s10] =	ssyncset.done $0x0  }
0x13: {  	[sflag:s10] =	ssyncadd.s32 $0xFFFFC000  }
0x14: {  	[spmem:s12], [sflag:s11] =	dma.local [hbm:s5], $0x2780  }
0x15: {  	_ =	swait.ge [sflag:s10], $0x2780  }
0x16: {  	[sflag:s10] =	ssyncset.done $0x0  }
0x17: {  	[sflag:s10] =	ssyncadd.s32 $0xFFFFD880  }
0x18: {  	s14 =	sadd.s32 $0x0, s8;
	[bflag:$0x0] =	sbarrier.arrive $0xFFFF  }
0x19: {  	[tilespmem:s4], [sflag:$0x1] =	stream.linear.gather [hbm4b:s14+s4], $0x80, $0x38;
	[tilespmem:$0x6800] =	vst v63  }
0x1a: {  	_ =	swait.ge [sflag:s10], $0x80  }
0x1b: {  	[sflag:s10] =	ssyncset.done $0x0  }
0x1c: {  	[sflag:s10] =	ssyncadd.s32 $0xFFFFFF80  }
0x1d: {  	[spmem:s3] =	stream.indirect.scatter.add.f32 [tilespmem:s9], [sflag:$0x1], $0x10, s4, s9, $0xb8;
	[tilespmem:$0x6800] =	vst v63  }
0x1e: {  	_ =	swait.ge [sflag:s10], $0x800  }
0x1f: {  	s15 =	simm.s32 $0x20;
	s14 =	simm.s32 $0x10;
	[sflag:s10] =	ssyncset.done $0x0  }
.LBB2_2:
0x20: {  	s16 =	sadd.s32 s14, s8  }
0x21: {  	[sflag:s10] =	ssyncadd.s32 $0xFFFFF800;
	s14 =	smov.u32 s15;
	s17 =	sadd.s32 $0x10, s15  }
0x22: {  	[tilespmem:s4], [sflag:$0x1] =	stream.linear.gather [hbm4b:s16+s4], $0x80, $0x38;
	[tilespmem:$0x6800] =	vst v63  }
0x23: {  	p0 =	sne.s32 s15, $0x4F0;
	_ =	swait.ge [sflag:s10], $0x80  }
.Ltmp0:
0x24: {  	[sflag:s10] =	ssyncset.done $0x0;
	(pc) =	sbr.rel @p0 .LBB2_2-.Ltmp0, $4  }
0x25: {  	[sflag:s10] =	ssyncadd.s32 $0xFFFFFF80  }
0x26: {  	[spmem:s3] =	stream.indirect.scatter.add.f32 [tilespmem:s9], [sflag:$0x1], $0x10, s4, s9, $0xb8;
	[tilespmem:$0x6800] =	vst v63  }
0x27: {  	_ =	swait.ge [sflag:s10], $0x800  }
0x28: {  	s15 =	smov.u32 s17;
	[sflag:s10] =	ssyncset.done $0x0  }
0x29: {  	s14 =	sadd.s32 s14, s8;
	[sflag:s10] =	ssyncadd.s32 $0xFFFFF800  }
0x2a: {  	[tilespmem:s4], [sflag:$0x1] =	stream.linear.gather [hbm4b:s14+s4], $0x80, $0x38;
	[tilespmem:$0x6800] =	vst v63  }
0x2b: {  	_ =	swait.ge [sflag:s10], $0x80  }
0x2c: {  	[sflag:s10] =	ssyncset.done $0x0  }
0x2d: {  	[sflag:s10] =	ssyncadd.s32 $0xFFFFFF80  }
0x2e: {  	[spmem:s3] =	stream.indirect.scatter.add.f32 [tilespmem:s9], [sflag:$0x1], $0x10, s4, s9, $0xb8;
	[tilespmem:$0x6800] =	vst v63  }
0x2f: {  	_ =	swait.ge [sflag:s10], $0x800  }
0x30: {  	s13 =	sadd.s32 $0x1, s13;
	[sflag:s10] =	ssyncset.done $0x0  }
0x31: {  	p0 =	sne.s32 s13, s7;
	[sflag:s10] =	ssyncadd.s32 $0xFFFFF800  }
.Ltmp1:
0x32: {  	[bflag:$0x0] =	sbarrier.arrive $0xFFFF;
	(pc) =	sbr.rel @p0 .LBB2_1-.Ltmp1, $4  }
0x33: {  	[hbm:s6], [sflag:s11] =	dma.local [spmem:s12], $0x2780  }
0x34: {  	_ =	swait.ge [sflag:s10], $0x2780  }
0x35: {  	[sflag:s10] =	ssyncset.done $0x0  }
0x36: {  	[sflag:s10] =	ssyncadd.s32 $0xFFFFD880  }
0x37: {  	_ =	sfence.sel $0x180000  }
0x38: {  	[bflag:$0x0] =	sbarrier.arrive $0xFFFF  }
0x39: {  	p0 =	sne.s32 s1, $0x0;
	_ =	strace $0x90000047  }
0x3a: {  	s0 =	sadd.s32 @!p0 $0x100000, s0;
	[bflag:$0x2] =	sbarrier.arrive $0xFFFF  }
0x3b: {  	[sflag:s0] =	ssyncadd.tile.s32 @!p0 $0x1;
	_ =	shalt  }
.Lfunc_end2:
_tile_overlayer_lowered:
.L_overlay_start_2:
0x3c: {  	(tag) =	ssettag $0x2  }
0x3d: {  	s0 =	rddreg [dreg:$0x0];
	s2 =	stileid.u32  }
0x3e: {  	s1 =	rddreg [dreg:$0x1];
	p0 =	sne.s32 s2, $0x0  }
0x3f: {  	s3 =	rddreg [dreg:$0x2];
	[bflag:$0x3] =	sbarrier.arrive $0xFFFF;
	s2 =	simm.s32 @!p0 $0x1C01  }
0x40: {  	[timem:s3], [sflag:s2] =	dma.local @!p0 [hbm:s0], s1  }
0x41: {  	s0 =	simm.s32 @!p0 $0x1  }
0x42: {  	_ =	swait.ge @!p0 [sflag:s0], s1  }
0x43: {  	s1 =	ssub.s32 @!p0 $0x0, s1;
	[sflag:s0] =	ssyncset.done @!p0 $0x0  }
0x44: {  	[sflag:s0] =	ssyncadd.s32 @!p0 s1  }
0x45: {  	[bflag:$0x3] =	sbarrier.arrive $0xFFFF  }
0x46: {  	_ =	shalt  }

</sc_bundles>
